<compile_context>
chip_gen: v7x
topology: tpu7x:2x2x1
jax: 0.10.2.dev20260603
libtpu: 0.0.44.dev20260713+nightly
codegen_flags: <defaults>
</compile_context>

<pallas_src>
import functools

import jax
import jax.numpy as jnp
from jax import lax
from jax.experimental import pallas as pl
from jax.experimental.pallas import tpu as pltpu
from jax.experimental.pallas import tpu_sc as plsc

E = 4096
DIM = 128
NSEG = 16
CUT = 2048
ROWS = 1024
NBLK = E // ROWS
CCH = 2048

SC_CORES = 2
SC_SUBCORES = 16
NW = SC_CORES * SC_SUBCORES
NIDX = 2 * E
B_PER_W = NIDX // NW


def _sc_gather(table, idx, center_idx):
    mesh = plsc.VectorSubcoreMesh(core_axis_name="c", subcore_axis_name="s")

    @functools.partial(
        pl.kernel,
        mesh=mesh,
        out_type=[
            jax.ShapeDtypeStruct((NIDX, DIM), jnp.float32),
            jax.ShapeDtypeStruct((NSEG, DIM), jnp.float32),
        ],
        scratch_types=[
            pltpu.VMEM((B_PER_W,), jnp.int32),
            pltpu.VMEM((B_PER_W, DIM), jnp.float32),
            pltpu.VMEM((NSEG,), jnp.int32),
            pltpu.VMEM((NSEG, DIM), jnp.float32),
            pltpu.SemaphoreType.DMA,
            pltpu.SemaphoreType.DMA,
        ],
    )
    def k(table_hbm, idx_hbm, cidx_hbm, out_hbm, cent_hbm,
          idx_v, rows_v, cidx_v, crows_v, sem, csem):
        wid = lax.axis_index("s") * SC_CORES + lax.axis_index("c")
        base = wid * B_PER_W
        pltpu.sync_copy(idx_hbm.at[pl.ds(base, B_PER_W)], idx_v)
        h = pltpu.async_copy(table_hbm.at[idx_v], rows_v, sem)

        @pl.when(wid == 0)
        def _centers():
            pltpu.sync_copy(cidx_hbm, cidx_v)
            pltpu.async_copy(table_hbm.at[cidx_v], crows_v, csem).wait()
            pltpu.sync_copy(crows_v, cent_hbm)

        h.wait()
        pltpu.sync_copy(rows_v, out_hbm.at[pl.ds(base, B_PER_W)])

    return k(table, idx, center_idx)


def _probs_kernel(g_ref, cent_ref, ef_ref, te_ref, w1_ref, b1_ref, bidx_ref,
                  w3_ref, b3_ref, probs_ref, xn_sc, h1_sc, rel_sc):
    s = pl.program_id(0)

    @pl.when(s == 0)
    def _edge_mlp():
        fi = g_ref[0:E, :]
        fj = g_ref[E:2 * E, :]
        cidx = jnp.mod(bidx_ref[...] - 1, NSEG)
        anf = jnp.zeros((E, DIM), jnp.float32)
        for b in range(NSEG):
            anf = jnp.where(cidx == b, cent_ref[b:b + 1, :], anf)
        h = jnp.concatenate([fi, fj, ef_ref[...], te_ref[...]], axis=1)
        h1 = jnp.maximum(
            jnp.dot(h.astype(jnp.bfloat16), w1_ref[...].astype(jnp.bfloat16),
                    preferred_element_type=jnp.float32)
            + b1_ref[...], 0.0)
        h1_sc[...] = h1.astype(jnp.bfloat16)
        nrm = jnp.sqrt(jnp.sum(h1 * h1, axis=1, keepdims=True))
        xn_sc[...] = (h1 / jnp.maximum(nrm, 1e-12)).astype(jnp.bfloat16)
        d2 = jnp.sum(h1 * anf, axis=1, keepdims=True)
        seg_iota = lax.broadcasted_iota(jnp.int32, (E, NSEG), 1)
        onehot = bidx_ref[...] == seg_iota
        neg = jnp.float32(-jnp.inf)
        seg_max = jnp.max(jnp.where(onehot, d2, neg), axis=0, keepdims=True)
        smax_pe = jnp.sum(jnp.where(onehot, seg_max, 0.0), axis=1,
                          keepdims=True)
        ee = jnp.exp(d2 - smax_pe)
        seg_sum = jnp.sum(jnp.where(onehot, ee, 0.0), axis=0, keepdims=True)
        ssum_pe = jnp.sum(jnp.where(onehot, seg_sum, 0.0), axis=1,
                          keepdims=True)
        rel_sc[...] = (ee / ssum_pe).astype(jnp.bfloat16)

    @pl.when(s > 0)
    def _redundancy():
        i = s - 1
        xn_blk = xn_sc[pl.ds(i * ROWS, ROWS), :]
        xnf = xn_blk.astype(jnp.float32)
        dii = jnp.sum(xnf * xnf, axis=1, keepdims=True)
        zparts = []
        for c in range(E // CCH):
            d = lax.dot_general(
                xn_blk, xn_sc[pl.ds(c * CCH, CCH), :],
                (((1,), (1,)), ((), ())), preferred_element_type=jnp.float32)
            zparts.append(jnp.sum(jnp.exp(d - dii), axis=1, keepdims=True))
        z = functools.reduce(lambda a, b: a + b, zparts)
        red = (z - 1.0) / z
        attn_score = jnp.concatenate(
            [red.astype(jnp.bfloat16),
             rel_sc[pl.ds(i * ROWS, ROWS), :],
             h1_sc[pl.ds(i * ROWS, ROWS), :]], axis=1)
        logit = jnp.dot(attn_score, w3_ref[...].astype(jnp.bfloat16),
                        preferred_element_type=jnp.float32) + b3_ref[...]
        probs_ref[...] = jax.nn.sigmoid(logit)


MROWS = 32
MCOLS = E // MROWS


def _shift_add_cumsum(x, axis):
    n = x.shape[axis]
    s = 1
    while s < n:
        if axis == 1:
            pad = jnp.zeros((x.shape[0], s), x.dtype)
            x = x + jnp.concatenate([pad, x[:, :n - s]], axis=1)
        else:
            pad = jnp.zeros((s, x.shape[1]), x.dtype)
            x = x + jnp.concatenate([pad, x[:n - s, :]], axis=0)
        s *= 2
    return x


def _rank_mask_kernel(p_ref, mask_ref):
    keys = lax.bitcast_convert_type(p_ref[...], jnp.int32)

    def body(_, lohi):
        lo, hi = lohi
        mid = (lo + hi) >> 1
        cnt = jnp.sum((keys <= mid).astype(jnp.int32))
        take_low = cnt >= CUT
        return (jnp.where(take_low, lo, mid + 1),
                jnp.where(take_low, mid, hi))

    lo, hi = lax.fori_loop(
        0, 31, body, (jnp.int32(0), jnp.int32(1 << 30)))
    t_star = lo
    c_lt = jnp.sum((keys < t_star).astype(jnp.int32))
    need = CUT - c_lt
    eq = (keys == t_star).astype(jnp.int32)
    lane_excl = _shift_add_cumsum(eq, axis=1) - eq
    row_tot = jnp.sum(eq, axis=1, keepdims=True)
    row_excl = _shift_add_cumsum(row_tot, axis=0) - row_tot
    prefix = row_excl + lane_excl
    mask_ref[...] = ((keys > t_star)
                     | ((eq == 1) & (prefix >= need))).astype(jnp.float32)


def kernel(node_embeddings, edge_index, time_encodding, edge_feat, batch_idx,
           src_center_node_idx, W1, b1, W3, b3):
    bidx = batch_idx.astype(jnp.int32)
    idx_all = jnp.concatenate([
        edge_index[:, 0].astype(jnp.int32),
        edge_index[:, 1].astype(jnp.int32),
    ])

    gathered, centers = _sc_gather(node_embeddings, idx_all,
                                   src_center_node_idx.astype(jnp.int32))

    probs2d = pl.pallas_call(
        _probs_kernel,
        grid=(NBLK + 1,),
        in_specs=[
            pl.BlockSpec((2 * E, DIM), lambda s: (0, 0)),
            pl.BlockSpec((NSEG, DIM), lambda s: (0, 0)),
            pl.BlockSpec((E, DIM), lambda s: (0, 0)),
            pl.BlockSpec((E, DIM), lambda s: (0, 0)),
            pl.BlockSpec((4 * DIM, DIM), lambda s: (0, 0)),
            pl.BlockSpec((1, DIM), lambda s: (0, 0)),
            pl.BlockSpec((E, 1), lambda s: (0, 0)),
            pl.BlockSpec((DIM + 2, 1), lambda s: (0, 0)),
            pl.BlockSpec((1, 1), lambda s: (0, 0)),
        ],
        out_specs=pl.BlockSpec((ROWS, 1), lambda s: (jnp.maximum(s - 1, 0), 0)),
        out_shape=jax.ShapeDtypeStruct((E, 1), jnp.float32),
        scratch_shapes=[
            pltpu.VMEM((E, DIM), jnp.bfloat16),
            pltpu.VMEM((E, DIM), jnp.bfloat16),
            pltpu.VMEM((E, 1), jnp.bfloat16),
        ],
    )(
        gathered, centers, edge_feat, time_encodding, W1,
        b1.reshape(1, DIM), bidx.reshape(E, 1),
        W3, b3.reshape(1, 1),
    )

    mask2d = pl.pallas_call(
        _rank_mask_kernel,
        out_shape=jax.ShapeDtypeStruct((MROWS, MCOLS), jnp.float32),
    )(probs2d.reshape(MROWS, MCOLS))

    probs = probs2d.reshape(E)
    mask = mask2d.reshape(E).astype(jnp.uint8)
    return probs, mask

# --- scband reference (transcript-rebuilt; emitter-appended) ---
"""Pipeline reference for scband-graph-sampling-network-67259187855841 (READ-ONLY COPY).

The authoritative reference and input builder live on the scoring server;
editing this copy changes nothing except your own understanding.
"""

import jax, jax.numpy as jnp
import numpy as np

DIM = 128
B = 16
N = 50000
E = 4096
MASK_RATIO = 0.5


def _scatter_softmax(vals, seg, num_segments):
    seg_max = jax.ops.segment_max(vals, seg, num_segments=num_segments)
    e = jnp.exp(vals - seg_max[seg])
    s = jax.ops.segment_sum(e, seg, num_segments=num_segments)
    return e / s[seg]


def setup_inputs(seed: int = 0) -> dict:
    key = jax.random.key(seed)
    ks = jax.random.split(key, 10)
    node_embeddings = jax.random.normal(ks[0], (N, DIM), dtype=jnp.float32)
    edge_index = jax.random.randint(ks[1], (E, 2), 0, N)
    time_encodding = jax.random.normal(ks[2], (E, DIM), dtype=jnp.float32)
    edge_feat = jax.random.normal(ks[3], (E, DIM), dtype=jnp.float32)
    batch_idx = jax.random.randint(ks[4], (E,), 0, B)
    src_center_node_idx = jax.random.randint(ks[5], (B,), 0, N)
    W1 = jax.random.normal(ks[6], (4 * DIM, DIM), dtype=jnp.float32) / np.sqrt(4 * DIM)
    b1 = jnp.zeros((DIM,), dtype=jnp.float32)
    W3 = jax.random.normal(ks[7], (DIM + 2, 1), dtype=jnp.float32) / np.sqrt(DIM + 2)
    b3 = jnp.zeros((1,), dtype=jnp.float32)
    return {
        'node_embeddings': node_embeddings,
        'edge_index': edge_index,
        'time_encodding': time_encodding,
        'edge_feat': edge_feat,
        'batch_idx': batch_idx,
        'src_center_node_idx': src_center_node_idx,
        'W1': W1, 'b1': b1, 'W3': W3, 'b3': b3,
    }


def reference(node_embeddings, edge_index, time_encodding, edge_feat, batch_idx, src_center_node_idx, W1, b1, W3, b3):
    node_i = edge_index[:, 0]
    node_j = edge_index[:, 1]
    feat_i = jnp.take(node_embeddings, node_i, axis=0)
    feat_j = jnp.take(node_embeddings, node_j, axis=0)
    center_node_feat = jnp.take(node_embeddings, src_center_node_idx, axis=0)
    h = jnp.concatenate([feat_i, feat_j, edge_feat, time_encodding], axis=1)
    h1 = jax.nn.relu(h @ W1 + b1)
    # redundancy attention: F.normalize + dense ExE softmax, zero diagonal, row-sum
    norm = jnp.maximum(jnp.linalg.norm(h1, axis=1, keepdims=True), 1e-12)
    xn = h1 / norm
    dots = xn @ xn.T
    attn = jax.nn.softmax(dots, axis=-1)
    out = attn - jnp.diag(jnp.diag(attn))
    redundancy_score = jnp.sum(out, axis=-1).reshape(-1, 1)
    # relevance attention: per-batch scatter softmax vs center node feature
    bidx = batch_idx.astype(jnp.int32)
    cidx = jnp.mod(bidx - 1, center_node_feat.shape[0])  # torch negative-index wrap semantics
    all_node_feat = jnp.take(center_node_feat, cidx, axis=0)
    d2 = jnp.sum(h1 * all_node_feat, axis=-1)
    relevance_score = _scatter_softmax(d2, bidx, center_node_feat.shape[0]).reshape(-1, 1)
    attn_score = jnp.concatenate([redundancy_score, relevance_score, h1], axis=-1)
    log_alpha = attn_score @ W3 + b3
    # eval-mode concrete_sample: plain sigmoid
    edge_sample_probs = jax.nn.sigmoid(log_alpha).reshape(-1)
    rank_idx = jnp.argsort(edge_sample_probs)
    cut = round(edge_sample_probs.shape[0] * MASK_RATIO)
    edge_mask = jax.lax.stop_gradient(edge_sample_probs)
    edge_mask = edge_mask.at[rank_idx[:cut]].set(0.0)
    edge_mask = edge_mask.at[rank_idx[cut:]].set(1.0)
    return edge_sample_probs, edge_mask.astype(jnp.uint8)

if __name__ == "__main__":
    import jax
    _d = setup_inputs()
    print(jax.jit(kernel)(*tuple(_d.values())))

</pallas_src>

<mosaic_0001>
#map = affine_map<(d0, d1) -> (0, 0)>
#map1 = affine_map<(d0, d1) -> (0)>
module attributes {stable_mosaic.version = 14 : i64} {
  func.func @k(%arg0: i32, %arg1: i32, %arg2: memref<50000x128xf32, #tpu.memory_space<hbm>>, %arg3: memref<8192xi32, #tpu.memory_space<hbm>>, %arg4: memref<16xi32, #tpu.memory_space<hbm>>, %arg5: memref<8192x128xf32, #tpu.memory_space<hbm>>, %arg6: memref<16x128xf32, #tpu.memory_space<hbm>>, %arg7: memref<256xi32, #tpu.memory_space<vmem>>, %arg8: memref<256x128xf32, #tpu.memory_space<vmem>>, %arg9: memref<16xi32, #tpu.memory_space<vmem>>, %arg10: memref<16x128xf32, #tpu.memory_space<vmem>>, %arg11: memref<!tpu.dma_semaphore, #tpu.memory_space<semaphore_mem>>, %arg12: memref<!tpu.dma_semaphore, #tpu.memory_space<semaphore_mem>>) attributes {dimension_semantics = [#tpu.dimension_semantics<core_parallel>, #tpu.dimension_semantics<subcore_parallel>], iteration_bounds = array<i64: 2, 16>, scalar_prefetch = 0 : i64, scratch_operands = 6 : i64, tpu.core_type = #tpu.core_type<sc_vector_subcore>, window_params = [{transform_indices = #map}, {transform_indices = #map1}, {transform_indices = #map1}, {transform_indices = #map}, {transform_indices = #map}]} {
    %mul3A = arith.constant 2 : i32
    %mul3A_0 = arith.muli %arg1, %mul3A : i32
    %add3A = arith.addi %mul3A_0, %arg0 : i32
    %mul3A_1 = arith.constant 256 : i32
    %mul3A_2 = arith.muli %add3A, %mul3A_1 : i32
    "tpu.region"() ({
      %run_scoped3A = tpu.sem_alloc : memref<!tpu.dma_semaphore, #tpu.memory_space<semaphore_mem>>
      %dma_start3A_9 = tpu.memref_slice %arg3[%mul3A_2] : memref<8192xi32, #tpu.memory_space<hbm>> -> memref<256xi32, #tpu.memory_space<hbm>>
      %dma_start3A_10 = tpu.memref_slice %arg3[%mul3A_2] : memref<8192xi32, #tpu.memory_space<hbm>> -> memref<256xi32, #tpu.memory_space<hbm>>
      tpu.enqueue_dma source(%dma_start3A_10 : memref<256xi32, #tpu.memory_space<hbm>>) target(%arg7 : memref<256xi32, #tpu.memory_space<vmem>>) target_semaphore(%run_scoped3A : memref<!tpu.dma_semaphore, #tpu.memory_space<semaphore_mem>>)
      %dma_wait3A_11 = tpu.memref_slice %arg3[%mul3A_2] : memref<8192xi32, #tpu.memory_space<hbm>> -> memref<256xi32, #tpu.memory_space<hbm>>
      %dma_wait3A_12 = tpu.memref_slice %arg3[%mul3A_2] : memref<8192xi32, #tpu.memory_space<hbm>> -> memref<256xi32, #tpu.memory_space<hbm>>
      tpu.wait_dma2 semaphore(%run_scoped3A : memref<!tpu.dma_semaphore, #tpu.memory_space<semaphore_mem>>) src(%dma_wait3A_12 : memref<256xi32, #tpu.memory_space<hbm>>) dst(%arg7 : memref<256xi32, #tpu.memory_space<vmem>>)
      tpu.yield
    }) : () -> ()
    %dma_start3A = arith.constant 0 : i32
    %dma_start3A_3 = arith.constant 0 : i32
    %dma_start3A_4 = tpu.memref_slice %arg2[%dma_start3A, %dma_start3A_3] : memref<50000x128xf32, #tpu.memory_space<hbm>> -> memref<50000x128xf32, #tpu.memory_space<hbm>>
    tpu.enqueue_indirect_dma source(%dma_start3A_4 : memref<50000x128xf32, #tpu.memory_space<hbm>>) target(%arg8 : memref<256x128xf32, #tpu.memory_space<vmem>>) offsets(%arg7 : memref<256xi32, #tpu.memory_space<vmem>>) semaphore(%arg11 : memref<!tpu.dma_semaphore, #tpu.memory_space<semaphore_mem>>)
    %eq3A = arith.constant 0 : i32
    %eq3A_5 = arith.cmpi eq, %add3A, %eq3A : i32
    %convert_element_type3A = arith.extui %eq3A_5 : i1 to i32
    %cond3A = arith.constant 0 : i32
    %cond3A_6 = arith.cmpi ne, %convert_element_type3A, %cond3A : i32
    scf.if %cond3A_6 {
      "tpu.region"() ({
        %run_scoped3A = tpu.sem_alloc : memref<!tpu.dma_semaphore, #tpu.memory_space<semaphore_mem>>
        tpu.enqueue_dma source(%arg4 : memref<16xi32, #tpu.memory_space<hbm>>) target(%arg9 : memref<16xi32, #tpu.memory_space<vmem>>) target_semaphore(%run_scoped3A : memref<!tpu.dma_semaphore, #tpu.memory_space<semaphore_mem>>)
        tpu.wait_dma2 semaphore(%run_scoped3A : memref<!tpu.dma_semaphore, #tpu.memory_space<semaphore_mem>>) src(%arg4 : memref<16xi32, #tpu.memory_space<hbm>>) dst(%arg9 : memref<16xi32, #tpu.memory_space<vmem>>)
        tpu.yield
      }) : () -> ()
      %dma_start3A_9 = arith.constant 0 : i32
      %dma_start3A_10 = arith.constant 0 : i32
      %dma_start3A_11 = tpu.memref_slice %arg2[%dma_start3A_9, %dma_start3A_10] : memref<50000x128xf32, #tpu.memory_space<hbm>> -> memref<50000x128xf32, #tpu.memory_space<hbm>>
      tpu.enqueue_indirect_dma source(%dma_start3A_11 : memref<50000x128xf32, #tpu.memory_space<hbm>>) target(%arg10 : memref<16x128xf32, #tpu.memory_space<vmem>>) offsets(%arg9 : memref<16xi32, #tpu.memory_space<vmem>>) semaphore(%arg12 : memref<!tpu.dma_semaphore, #tpu.memory_space<semaphore_mem>>)
      %dma_wait3A_12 = arith.constant 0 : i32
      %dma_wait3A_13 = arith.constant 0 : i32
      %dma_wait3A_14 = tpu.memref_slice %arg2[%dma_wait3A_12, %dma_wait3A_13] : memref<50000x128xf32, #tpu.memory_space<hbm>> -> memref<50000x128xf32, #tpu.memory_space<hbm>>
      tpu.wait_indirect_dma semaphore(%arg12 : memref<!tpu.dma_semaphore, #tpu.memory_space<semaphore_mem>>) src(%dma_wait3A_14 : memref<50000x128xf32, #tpu.memory_space<hbm>>) dst(%arg10 : memref<16x128xf32, #tpu.memory_space<vmem>>)
      "tpu.region"() ({
        %run_scoped3A = tpu.sem_alloc : memref<!tpu.dma_semaphore, #tpu.memory_space<semaphore_mem>>
        tpu.enqueue_dma source(%arg10 : memref<16x128xf32, #tpu.memory_space<vmem>>) target(%arg6 : memref<16x128xf32, #tpu.memory_space<hbm>>) target_semaphore(%run_scoped3A : memref<!tpu.dma_semaphore, #tpu.memory_space<semaphore_mem>>)
        tpu.wait_dma2 semaphore(%run_scoped3A : memref<!tpu.dma_semaphore, #tpu.memory_space<semaphore_mem>>) src(%arg10 : memref<16x128xf32, #tpu.memory_space<vmem>>) dst(%arg6 : memref<16x128xf32, #tpu.memory_space<hbm>>)
        tpu.yield
      }) : () -> ()
    } else {
    }
    %dma_wait3A = arith.constant 0 : i32
    %dma_wait3A_7 = arith.constant 0 : i32
    %dma_wait3A_8 = tpu.memref_slice %arg2[%dma_wait3A, %dma_wait3A_7] : memref<50000x128xf32, #tpu.memory_space<hbm>> -> memref<50000x128xf32, #tpu.memory_space<hbm>>
    tpu.wait_indirect_dma semaphore(%arg11 : memref<!tpu.dma_semaphore, #tpu.memory_space<semaphore_mem>>) src(%dma_wait3A_8 : memref<50000x128xf32, #tpu.memory_space<hbm>>) dst(%arg8 : memref<256x128xf32, #tpu.memory_space<vmem>>)
    "tpu.region"() ({
      %run_scoped3A = tpu.sem_alloc : memref<!tpu.dma_semaphore, #tpu.memory_space<semaphore_mem>>
      %dma_start3A_9 = arith.constant 0 : i32
      %dma_start3A_10 = tpu.memref_slice %arg5[%mul3A_2, %dma_start3A_9] : memref<8192x128xf32, #tpu.memory_space<hbm>> -> memref<256x128xf32, #tpu.memory_space<hbm>>
      %dma_start3A_11 = arith.constant 0 : i32
      %dma_start3A_12 = tpu.memref_slice %arg5[%mul3A_2, %dma_start3A_11] : memref<8192x128xf32, #tpu.memory_space<hbm>> -> memref<256x128xf32, #tpu.memory_space<hbm>>
      tpu.enqueue_dma source(%arg8 : memref<256x128xf32, #tpu.memory_space<vmem>>) target(%dma_start3A_12 : memref<256x128xf32, #tpu.memory_space<hbm>>) target_semaphore(%run_scoped3A : memref<!tpu.dma_semaphore, #tpu.memory_space<semaphore_mem>>)
      %dma_wait3A_13 = arith.constant 0 : i32
      %dma_wait3A_14 = tpu.memref_slice %arg5[%mul3A_2, %dma_wait3A_13] : memref<8192x128xf32, #tpu.memory_space<hbm>> -> memref<256x128xf32, #tpu.memory_space<hbm>>
      %dma_wait3A_15 = arith.constant 0 : i32
      %dma_wait3A_16 = tpu.memref_slice %arg5[%mul3A_2, %dma_wait3A_15] : memref<8192x128xf32, #tpu.memory_space<hbm>> -> memref<256x128xf32, #tpu.memory_space<hbm>>
      tpu.wait_dma2 semaphore(%run_scoped3A : memref<!tpu.dma_semaphore, #tpu.memory_space<semaphore_mem>>) src(%arg8 : memref<256x128xf32, #tpu.memory_space<vmem>>) dst(%dma_wait3A_16 : memref<256x128xf32, #tpu.memory_space<hbm>>)
      tpu.yield
    }) : () -> ()
    return
  }
}

module attributes {stable_mosaic.version = 14 : i64} {
  func.func @_probs_kernel(%arg0: i32, %arg1: memref<8192x128xf32, #tpu.memory_space<vmem>>, %arg2: memref<16x128xf32, #tpu.memory_space<vmem>>, %arg3: memref<4096x128xf32, #tpu.memory_space<vmem>>, %arg4: memref<4096x128xf32, #tpu.memory_space<vmem>>, %arg5: memref<512x128xf32, #tpu.memory_space<vmem>>, %arg6: memref<1x128xf32, #tpu.memory_space<vmem>>, %arg7: memref<4096x1xi32, #tpu.memory_space<vmem>>, %arg8: memref<130x1xf32, #tpu.memory_space<vmem>>, %arg9: memref<1x1xf32, #tpu.memory_space<vmem>>, %arg10: memref<1024x1xf32, #tpu.memory_space<vmem>>, %arg11: memref<4096x128xbf16, #tpu.memory_space<vmem>>, %arg12: memref<4096x128xbf16, #tpu.memory_space<vmem>>, %arg13: memref<4096x1xbf16, #tpu.memory_space<vmem>>) attributes {dimension_semantics = [#tpu.dimension_semantics<arbitrary>], iteration_bounds = array<i64: 5>, scalar_prefetch = 0 : i64, scratch_operands = 3 : i64, tpu.core_type = #tpu.core_type<tc>, window_params = [{pipeline_mode = #tpu.pipeline_mode<synchronous>, transform_indices = @transform_0, window_bounds = array<i64: 8192, 128>}, {pipeline_mode = #tpu.pipeline_mode<synchronous>, transform_indices = @transform_1, window_bounds = array<i64: 16, 128>}, {pipeline_mode = #tpu.pipeline_mode<synchronous>, transform_indices = @transform_2, window_bounds = array<i64: 4096, 128>}, {pipeline_mode = #tpu.pipeline_mode<synchronous>, transform_indices = @transform_3, window_bounds = array<i64: 4096, 128>}, {pipeline_mode = #tpu.pipeline_mode<synchronous>, transform_indices = @transform_4, window_bounds = array<i64: 512, 128>}, {pipeline_mode = #tpu.pipeline_mode<synchronous>, transform_indices = @transform_5, window_bounds = array<i64: 1, 128>}, {pipeline_mode = #tpu.pipeline_mode<synchronous>, transform_indices = @transform_6, window_bounds = array<i64: 4096, 1>}, {pipeline_mode = #tpu.pipeline_mode<synchronous>, transform_indices = @transform_7, window_bounds = array<i64: 130, 1>}, {pipeline_mode = #tpu.pipeline_mode<synchronous>, transform_indices = @transform_8, window_bounds = array<i64: 1, 1>}, {transform_indices = @transform_9, window_bounds = array<i64: 1024, 1>}]} {
    %eq3A = arith.constant 0 : i32
    %eq3A_0 = arith.cmpi eq, %arg0, %eq3A : i32
    %convert_element_type3A = arith.extui %eq3A_0 : i1 to i32
    %cond3A = arith.constant 0 : i32
    %cond3A_1 = arith.cmpi ne, %convert_element_type3A, %cond3A : i32
    scf.if %cond3A_1 {
      %get3A = arith.constant 0 : index
      %get3A_6 = arith.constant 0 : index
      %get3A_7 = vector.load %arg1[%get3A, %get3A_6] : memref<8192x128xf32, #tpu.memory_space<vmem>>, vector<4096x128xf32>
      %get3A_8 = arith.constant 4096 : index
      %get3A_9 = arith.constant 0 : index
      %get3A_10 = vector.load %arg1[%get3A_8, %get3A_9] : memref<8192x128xf32, #tpu.memory_space<vmem>>, vector<4096x128xf32>
      %get3A_11 = arith.constant 0 : index
      %get3A_12 = arith.constant 0 : index
      %get3A_13 = vector.load %arg7[%get3A_11, %get3A_12] : memref<4096x1xi32, #tpu.memory_space<vmem>>, vector<4096x1xi32>
      %sub3A = arith.constant 1 : i32
      %sub3A_14 = vector.broadcast %sub3A : i32 to vector<4096x1xi32>
      %sub3A_15 = arith.subi %get3A_13, %sub3A_14 : vector<4096x1xi32>
      %jit3A = arith.constant 16 : i32
      %eq3A_16 = arith.constant 0 : i32
      %eq3A_17 = arith.cmpi eq, %jit3A, %eq3A_16 : i32
      %jit3A_18 = arith.constant 1 : i32
      %select_n3A = arith.select %eq3A_17, %jit3A_18, %jit3A : i32
      %rem3A = vector.broadcast %select_n3A : i32 to vector<4096x1xi32>
      %rem3A_19 = arith.remsi %sub3A_15, %rem3A : vector<4096x1xi32>
      %ne3A = arith.constant 0 : i32
      %ne3A_20 = vector.broadcast %ne3A : i32 to vector<4096x1xi32>
      %ne3A_21 = arith.cmpi ne, %rem3A_19, %ne3A_20 : vector<4096x1xi32>
      %lt3A = arith.constant 0 : i32
      %lt3A_22 = vector.broadcast %lt3A : i32 to vector<4096x1xi32>
      %lt3A_23 = arith.cmpi slt, %rem3A_19, %lt3A_22 : vector<4096x1xi32>
      %lt3A_24 = arith.constant 0 : i32
      %lt3A_25 = arith.cmpi slt, %select_n3A, %lt3A_24 : i32
      %ne3A_26 = vector.broadcast %lt3A_25 : i1 to vector<4096x1xi1>
      %ne3A_27 = vector.broadcast %ne3A_26 : vector<4096x1xi1> to vector<4096x1xi1>
      %ne3A_28 = arith.xori %lt3A_23, %ne3A_27 : vector<4096x1xi1>
      %and3A = arith.andi %ne3A_28, %ne3A_21 : vector<4096x1xi1>
      %add3A = vector.broadcast %select_n3A : i32 to vector<4096x1xi32>
      %add3A_29 = arith.addi %rem3A_19, %add3A : vector<4096x1xi32>
      %select_n3A_30 = arith.select %and3A, %add3A_29, %rem3A_19 : vector<4096x1xi1>, vector<4096x1xi32>
      %broadcast_in_dim3A = arith.constant 0.000000e+00 : f32
      %broadcast_in_dim3A_31 = vector.broadcast %broadcast_in_dim3A : f32 to vector<4096x128xf32>
      %eq3A_32 = arith.constant 0 : i32
      %eq3A_33 = vector.broadcast %eq3A_32 : i32 to vector<4096x1xi32>
      %eq3A_34 = arith.cmpi eq, %select_n3A_30, %eq3A_33 : vector<4096x1xi32>
      %get3A_35 = arith.constant 0 : index
      %get3A_36 = arith.constant 0 : index
      %get3A_37 = vector.load %arg2[%get3A_35, %get3A_36] : memref<16x128xf32, #tpu.memory_space<vmem>>, vector<1x128xf32>
      %broadcast_in_dim3A_38 = vector.shape_cast %eq3A_34 : vector<4096x1xi1> to vector<4096x1xi1>
      %broadcast_in_dim3A_39 = vector.broadcast %broadcast_in_dim3A_38 : vector<4096x1xi1> to vector<4096x128xi1>
      %broadcast_in_dim3A_40 = vector.shape_cast %get3A_37 : vector<1x128xf32> to vector<1x128xf32>
      %broadcast_in_dim3A_41 = vector.broadcast %broadcast_in_dim3A_40 : vector<1x128xf32> to vector<4096x128xf32>
      %select_n3A_42 = arith.select %broadcast_in_dim3A_39, %broadcast_in_dim3A_41, %broadcast_in_dim3A_31 : vector<4096x128xi1>, vector<4096x128xf32>
      %eq3A_43 = arith.constant 1 : i32
      %eq3A_44 = vector.broadcast %eq3A_43 : i32 to vector<4096x1xi32>
      %eq3A_45 = arith.cmpi eq, %select_n3A_30, %eq3A_44 : vector<4096x1xi32>
      %get3A_46 = arith.constant 1 : index
      %get3A_47 = arith.constant 0 : index
      %get3A_48 = vector.load %arg2[%get3A_46, %get3A_47] : memref<16x128xf32, #tpu.memory_space<vmem>>, vector<1x128xf32>
      %broadcast_in_dim3A_49 = vector.shape_cast %eq3A_45 : vector<4096x1xi1> to vector<4096x1xi1>
      %broadcast_in_dim3A_50 = vector.broadcast %broadcast_in_dim3A_49 : vector<4096x1xi1> to vector<4096x128xi1>
      %broadcast_in_dim3A_51 = vector.shape_cast %get3A_48 : vector<1x128xf32> to vector<1x128xf32>
      %broadcast_in_dim3A_52 = vector.broadcast %broadcast_in_dim3A_51 : vector<1x128xf32> to vector<4096x128xf32>
      %select_n3A_53 = arith.select %broadcast_in_dim3A_50, %broadcast_in_dim3A_52, %select_n3A_42 : vector<4096x128xi1>, vector<4096x128xf32>
      %eq3A_54 = arith.constant 2 : i32
      %eq3A_55 = vector.broadcast %eq3A_54 : i32 to vector<4096x1xi32>
      %eq3A_56 = arith.cmpi eq, %select_n3A_30, %eq3A_55 : vector<4096x1xi32>
      %get3A_57 = arith.constant 2 : index
      %get3A_58 = arith.constant 0 : index
      %get3A_59 = vector.load %arg2[%get3A_57, %get3A_58] : memref<16x128xf32, #tpu.memory_space<vmem>>, vector<1x128xf32>
      %broadcast_in_dim3A_60 = vector.shape_cast %eq3A_56 : vector<4096x1xi1> to vector<4096x1xi1>
      %broadcast_in_dim3A_61 = vector.broadcast %broadcast_in_dim3A_60 : vector<4096x1xi1> to vector<4096x128xi1>
      %broadcast_in_dim3A_62 = vector.shape_cast %get3A_59 : vector<1x128xf32> to vector<1x128xf32>
      %broadcast_in_dim3A_63 = vector.broadcast %broadcast_in_dim3A_62 : vector<1x128xf32> to vector<4096x128xf32>
      %select_n3A_64 = arith.select %broadcast_in_dim3A_61, %broadcast_in_dim3A_63, %select_n3A_53 : vector<4096x128xi1>, vector<4096x128xf32>
      %eq3A_65 = arith.constant 3 : i32
      %eq3A_66 = vector.broadcast %eq3A_65 : i32 to vector<4096x1xi32>
      %eq3A_67 = arith.cmpi eq, %select_n3A_30, %eq3A_66 : vector<4096x1xi32>
      %get3A_68 = arith.constant 3 : index
      %get3A_69 = arith.constant 0 : index
      %get3A_70 = vector.load %arg2[%get3A_68, %get3A_69] : memref<16x128xf32, #tpu.memory_space<vmem>>, vector<1x128xf32>
      %broadcast_in_dim3A_71 = vector.shape_cast %eq3A_67 : vector<4096x1xi1> to vector<4096x1xi1>
      %broadcast_in_dim3A_72 = vector.broadcast %broadcast_in_dim3A_71 : vector<4096x1xi1> to vector<4096x128xi1>
      %broadcast_in_dim3A_73 = vector.shape_cast %get3A_70 : vector<1x128xf32> to vector<1x128xf32>
      %broadcast_in_dim3A_74 = vector.broadcast %broadcast_in_dim3A_73 : vector<1x128xf32> to vector<4096x128xf32>
      %select_n3A_75 = arith.select %broadcast_in_dim3A_72, %broadcast_in_dim3A_74, %select_n3A_64 : vector<4096x128xi1>, vector<4096x128xf32>
      %eq3A_76 = arith.constant 4 : i32
      %eq3A_77 = vector.broadcast %eq3A_76 : i32 to vector<4096x1xi32>
      %eq3A_78 = arith.cmpi eq, %select_n3A_30, %eq3A_77 : vector<4096x1xi32>
      %get3A_79 = arith.constant 4 : index
      %get3A_80 = arith.constant 0 : index
      %get3A_81 = vector.load %arg2[%get3A_79, %get3A_80] : memref<16x128xf32, #tpu.memory_space<vmem>>, vector<1x128xf32>
      %broadcast_in_dim3A_82 = vector.shape_cast %eq3A_78 : vector<4096x1xi1> to vector<4096x1xi1>
      %broadcast_in_dim3A_83 = vector.broadcast %broadcast_in_dim3A_82 : vector<4096x1xi1> to vector<4096x128xi1>
      %broadcast_in_dim3A_84 = vector.shape_cast %get3A_81 : vector<1x128xf32> to vector<1x128xf32>
      %broadcast_in_dim3A_85 = vector.broadcast %broadcast_in_dim3A_84 : vector<1x128xf32> to vector<4096x128xf32>
      %select_n3A_86 = arith.select %broadcast_in_dim3A_83, %broadcast_in_dim3A_85, %select_n3A_75 : vector<4096x128xi1>, vector<4096x128xf32>
      %eq3A_87 = arith.constant 5 : i32
      %eq3A_88 = vector.broadcast %eq3A_87 : i32 to vector<4096x1xi32>
      %eq3A_89 = arith.cmpi eq, %select_n3A_30, %eq3A_88 : vector<4096x1xi32>
      %get3A_90 = arith.constant 5 : index
      %get3A_91 = arith.constant 0 : index
      %get3A_92 = vector.load %arg2[%get3A_90, %get3A_91] : memref<16x128xf32, #tpu.memory_space<vmem>>, vector<1x128xf32>
      %broadcast_in_dim3A_93 = vector.shape_cast %eq3A_89 : vector<4096x1xi1> to vector<4096x1xi1>
      %broadcast_in_dim3A_94 = vector.broadcast %broadcast_in_dim3A_93 : vector<4096x1xi1> to vector<4096x128xi1>
      %broadcast_in_dim3A_95 = vector.shape_cast %get3A_92 : vector<1x128xf32> to vector<1x128xf32>
      %broadcast_in_dim3A_96 = vector.broadcast %broadcast_in_dim3A_95 : vector<1x128xf32> to vector<4096x128xf32>
      %select_n3A_97 = arith.select %broadcast_in_dim3A_94, %broadcast_in_dim3A_96, %select_n3A_86 : vector<4096x128xi1>, vector<4096x128xf32>
      %eq3A_98 = arith.constant 6 : i32
      %eq3A_99 = vector.broadcast %eq3A_98 : i32 to vector<4096x1xi32>
      %eq3A_100 = arith.cmpi eq, %select_n3A_30, %eq3A_99 : vector<4096x1xi32>
      %get3A_101 = arith.constant 6 : index
      %get3A_102 = arith.constant 0 : index
      %get3A_103 = vector.load %arg2[%get3A_101, %get3A_102] : memref<16x128xf32, #tpu.memory_space<vmem>>, vector<1x128xf32>
      %broadcast_in_dim3A_104 = vector.shape_cast %eq3A_100 : vector<4096x1xi1> to vector<4096x1xi1>
      %broadcast_in_dim3A_105 = vector.broadcast %broadcast_in_dim3A_104 : vector<4096x1xi1> to vector<4096x128xi1>
      %broadcast_in_dim3A_106 = vector.shape_cast %get3A_103 : vector<1x128xf32> to vector<1x128xf32>
      %broadcast_in_dim3A_107 = vector.broadcast %broadcast_in_dim3A_106 : vector<1x128xf32> to vector<4096x128xf32>
      %select_n3A_108 = arith.select %broadcast_in_dim3A_105, %broadcast_in_dim3A_107, %select_n3A_97 : vector<4096x128xi1>, vector<4096x128xf32>
      %eq3A_109 = arith.constant 7 : i32
      %eq3A_110 = vector.broadcast %eq3A_109 : i32 to vector<4096x1xi32>
      %eq3A_111 = arith.cmpi eq, %select_n3A_30, %eq3A_110 : vector<4096x1xi32>
      %get3A_112 = arith.constant 7 : index
      %get3A_113 = arith.constant 0 : index
      %get3A_114 = vector.load %arg2[%get3A_112, %get3A_113] : memref<16x128xf32, #tpu.memory_space<vmem>>, vector<1x128xf32>
      %broadcast_in_dim3A_115 = vector.shape_cast %eq3A_111 : vector<4096x1xi1> to vector<4096x1xi1>
      %broadcast_in_dim3A_116 = vector.broadcast %broadcast_in_dim3A_115 : vector<4096x1xi1> to vector<4096x128xi1>
      %broadcast_in_dim3A_117 = vector.shape_cast %get3A_114 : vector<1x128xf32> to vector<1x128xf32>
      %broadcast_in_dim3A_118 = vector.broadcast %broadcast_in_dim3A_117 : vector<1x128xf32> to vector<4096x128xf32>
      %select_n3A_119 = arith.select %broadcast_in_dim3A_116, %broadcast_in_dim3A_118, %select_n3A_108 : vector<4096x128xi1>, vector<4096x128xf32>
      %eq3A_120 = arith.constant 8 : i32
      %eq3A_121 = vector.broadcast %eq3A_120 : i32 to vector<4096x1xi32>
      %eq3A_122 = arith.cmpi eq, %select_n3A_30, %eq3A_121 : vector<4096x1xi32>
      %get3A_123 = arith.constant 8 : index
      %get3A_124 = arith.constant 0 : index
      %get3A_125 = vector.load %arg2[%get3A_123, %get3A_124] : memref<16x128xf32, #tpu.memory_space<vmem>>, vector<1x128xf32>
      %broadcast_in_dim3A_126 = vector.shape_cast %eq3A_122 : vector<4096x1xi1> to vector<4096x1xi1>
      %broadcast_in_dim3A_127 = vector.broadcast %broadcast_in_dim3A_126 : vector<4096x1xi1> to vector<4096x128xi1>
      %broadcast_in_dim3A_128 = vector.shape_cast %get3A_125 : vector<1x128xf32> to vector<1x128xf32>
      %broadcast_in_dim3A_129 = vector.broadcast %broadcast_in_dim3A_128 : vector<1x128xf32> to vector<4096x128xf32>
      %select_n3A_130 = arith.select %broadcast_in_dim3A_127, %broadcast_in_dim3A_129, %select_n3A_119 : vector<4096x128xi1>, vector<4096x128xf32>
      %eq3A_131 = arith.constant 9 : i32
      %eq3A_132 = vector.broadcast %eq3A_131 : i32 to vector<4096x1xi32>
      %eq3A_133 = arith.cmpi eq, %select_n3A_30, %eq3A_132 : vector<4096x1xi32>
      %get3A_134 = arith.constant 9 : index
      %get3A_135 = arith.constant 0 : index
      %get3A_136 = vector.load %arg2[%get3A_134, %get3A_135] : memref<16x128xf32, #tpu.memory_space<vmem>>, vector<1x128xf32>
      %broadcast_in_dim3A_137 = vector.shape_cast %eq3A_133 : vector<4096x1xi1> to vector<4096x1xi1>
      %broadcast_in_dim3A_138 = vector.broadcast %broadcast_in_dim3A_137 : vector<4096x1xi1> to vector<4096x128xi1>
      %broadcast_in_dim3A_139 = vector.shape_cast %get3A_136 : vector<1x128xf32> to vector<1x128xf32>
      %broadcast_in_dim3A_140 = vector.broadcast %broadcast_in_dim3A_139 : vector<1x128xf32> to vector<4096x128xf32>
      %select_n3A_141 = arith.select %broadcast_in_dim3A_138, %broadcast_in_dim3A_140, %select_n3A_130 : vector<4096x128xi1>, vector<4096x128xf32>
      %eq3A_142 = arith.constant 10 : i32
      %eq3A_143 = vector.broadcast %eq3A_142 : i32 to vector<4096x1xi32>
      %eq3A_144 = arith.cmpi eq, %select_n3A_30, %eq3A_143 : vector<4096x1xi32>
      %get3A_145 = arith.constant 10 : index
      %get3A_146 = arith.constant 0 : index
      %get3A_147 = vector.load %arg2[%get3A_145, %get3A_146] : memref<16x128xf32, #tpu.memory_space<vmem>>, vector<1x128xf32>
      %broadcast_in_dim3A_148 = vector.shape_cast %eq3A_144 : vector<4096x1xi1> to vector<4096x1xi1>
      %broadcast_in_dim3A_149 = vector.broadcast %broadcast_in_dim3A_148 : vector<4096x1xi1> to vector<4096x128xi1>
      %broadcast_in_dim3A_150 = vector.shape_cast %get3A_147 : vector<1x128xf32> to vector<1x128xf32>
      %broadcast_in_dim3A_151 = vector.broadcast %broadcast_in_dim3A_150 : vector<1x128xf32> to vector<4096x128xf32>
      %select_n3A_152 = arith.select %broadcast_in_dim3A_149, %broadcast_in_dim3A_151, %select_n3A_141 : vector<4096x128xi1>, vector<4096x128xf32>
      %eq3A_153 = arith.constant 11 : i32
      %eq3A_154 = vector.broadcast %eq3A_153 : i32 to vector<4096x1xi32>
      %eq3A_155 = arith.cmpi eq, %select_n3A_30, %eq3A_154 : vector<4096x1xi32>
      %get3A_156 = arith.constant 11 : index
      %get3A_157 = arith.constant 0 : index
      %get3A_158 = vector.load %arg2[%get3A_156, %get3A_157] : memref<16x128xf32, #tpu.memory_space<vmem>>, vector<1x128xf32>
      %broadcast_in_dim3A_159 = vector.shape_cast %eq3A_155 : vector<4096x1xi1> to vector<4096x1xi1>
      %broadcast_in_dim3A_160 = vector.broadcast %broadcast_in_dim3A_159 : vector<4096x1xi1> to vector<4096x128xi1>
      %broadcast_in_dim3A_161 = vector.shape_cast %get3A_158 : vector<1x128xf32> to vector<1x128xf32>
      %broadcast_in_dim3A_162 = vector.broadcast %broadcast_in_dim3A_161 : vector<1x128xf32> to vector<4096x128xf32>
      %select_n3A_163 = arith.select %broadcast_in_dim3A_160, %broadcast_in_dim3A_162, %select_n3A_152 : vector<4096x128xi1>, vector<4096x128xf32>
      %eq3A_164 = arith.constant 12 : i32
      %eq3A_165 = vector.broadcast %eq3A_164 : i32 to vector<4096x1xi32>
      %eq3A_166 = arith.cmpi eq, %select_n3A_30, %eq3A_165 : vector<4096x1xi32>
      %get3A_167 = arith.constant 12 : index
      %get3A_168 = arith.constant 0 : index
      %get3A_169 = vector.load %arg2[%get3A_167, %get3A_168] : memref<16x128xf32, #tpu.memory_space<vmem>>, vector<1x128xf32>
      %broadcast_in_dim3A_170 = vector.shape_cast %eq3A_166 : vector<4096x1xi1> to vector<4096x1xi1>
      %broadcast_in_dim3A_171 = vector.broadcast %broadcast_in_dim3A_170 : vector<4096x1xi1> to vector<4096x128xi1>
      %broadcast_in_dim3A_172 = vector.shape_cast %get3A_169 : vector<1x128xf32> to vector<1x128xf32>
      %broadcast_in_dim3A_173 = vector.broadcast %broadcast_in_dim3A_172 : vector<1x128xf32> to vector<4096x128xf32>
      %select_n3A_174 = arith.select %broadcast_in_dim3A_171, %broadcast_in_dim3A_173, %select_n3A_163 : vector<4096x128xi1>, vector<4096x128xf32>
      %eq3A_175 = arith.constant 13 : i32
      %eq3A_176 = vector.broadcast %eq3A_175 : i32 to vector<4096x1xi32>
      %eq3A_177 = arith.cmpi eq, %select_n3A_30, %eq3A_176 : vector<4096x1xi32>
      %get3A_178 = arith.constant 13 : index
      %get3A_179 = arith.constant 0 : index
      %get3A_180 = vector.load %arg2[%get3A_178, %get3A_179] : memref<16x128xf32, #tpu.memory_space<vmem>>, vector<1x128xf32>
      %broadcast_in_dim3A_181 = vector.shape_cast %eq3A_177 : vector<4096x1xi1> to vector<4096x1xi1>
      %broadcast_in_dim3A_182 = vector.broadcast %broadcast_in_dim3A_181 : vector<4096x1xi1> to vector<4096x128xi1>
      %broadcast_in_dim3A_183 = vector.shape_cast %get3A_180 : vector<1x128xf32> to vector<1x128xf32>
      %broadcast_in_dim3A_184 = vector.broadcast %broadcast_in_dim3A_183 : vector<1x128xf32> to vector<4096x128xf32>
      %select_n3A_185 = arith.select %broadcast_in_dim3A_182, %broadcast_in_dim3A_184, %select_n3A_174 : vector<4096x128xi1>, vector<4096x128xf32>
      %eq3A_186 = arith.constant 14 : i32
      %eq3A_187 = vector.broadcast %eq3A_186 : i32 to vector<4096x1xi32>
      %eq3A_188 = arith.cmpi eq, %select_n3A_30, %eq3A_187 : vector<4096x1xi32>
      %get3A_189 = arith.constant 14 : index
      %get3A_190 = arith.constant 0 : index
      %get3A_191 = vector.load %arg2[%get3A_189, %get3A_190] : memref<16x128xf32, #tpu.memory_space<vmem>>, vector<1x128xf32>
      %broadcast_in_dim3A_192 = vector.shape_cast %eq3A_188 : vector<4096x1xi1> to vector<4096x1xi1>
      %broadcast_in_dim3A_193 = vector.broadcast %broadcast_in_dim3A_192 : vector<4096x1xi1> to vector<4096x128xi1>
      %broadcast_in_dim3A_194 = vector.shape_cast %get3A_191 : vector<1x128xf32> to vector<1x128xf32>
      %broadcast_in_dim3A_195 = vector.broadcast %broadcast_in_dim3A_194 : vector<1x128xf32> to vector<4096x128xf32>
      %select_n3A_196 = arith.select %broadcast_in_dim3A_193, %broadcast_in_dim3A_195, %select_n3A_185 : vector<4096x128xi1>, vector<4096x128xf32>
      %eq3A_197 = arith.constant 15 : i32
      %eq3A_198 = vector.broadcast %eq3A_197 : i32 to vector<4096x1xi32>
      %eq3A_199 = arith.cmpi eq, %select_n3A_30, %eq3A_198 : vector<4096x1xi32>
      %get3A_200 = arith.constant 15 : index
      %get3A_201 = arith.constant 0 : index
      %get3A_202 = vector.load %arg2[%get3A_200, %get3A_201] : memref<16x128xf32, #tpu.memory_space<vmem>>, vector<1x128xf32>
      %broadcast_in_dim3A_203 = vector.shape_cast %eq3A_199 : vector<4096x1xi1> to vector<4096x1xi1>
      %broadcast_in_dim3A_204 = vector.broadcast %broadcast_in_dim3A_203 : vector<4096x1xi1> to vector<4096x128xi1>
      %broadcast_in_dim3A_205 = vector.shape_cast %get3A_202 : vector<1x128xf32> to vector<1x128xf32>
      %broadcast_in_dim3A_206 = vector.broadcast %broadcast_in_dim3A_205 : vector<1x128xf32> to vector<4096x128xf32>
      %select_n3A_207 = arith.select %broadcast_in_dim3A_204, %broadcast_in_dim3A_206, %select_n3A_196 : vector<4096x128xi1>, vector<4096x128xf32>
      %get3A_208 = arith.constant 0 : index
      %get3A_209 = arith.constant 0 : index
      %get3A_210 = vector.load %arg3[%get3A_208, %get3A_209] : memref<4096x128xf32, #tpu.memory_space<vmem>>, vector<4096x128xf32>
      %get3A_211 = arith.constant 0 : index
      %get3A_212 = arith.constant 0 : index
      %get3A_213 = vector.load %arg4[%get3A_211, %get3A_212] : memref<4096x128xf32, #tpu.memory_space<vmem>>, vector<4096x128xf32>
      %concatenate3A = tpu.concatenate %get3A_7, %get3A_10, %get3A_210, %get3A_213 in 1 : vector<4096x128xf32>, vector<4096x128xf32>, vector<4096x128xf32>, vector<4096x128xf32> -> vector<4096x512xf32>
      %convert_element_type3A_214 = arith.truncf %concatenate3A : vector<4096x512xf32> to vector<4096x512xbf16>
      %get3A_215 = arith.constant 0 : index
      %get3A_216 = arith.constant 0 : index
      %get3A_217 = vector.load %arg5[%get3A_215, %get3A_216] : memref<512x128xf32, #tpu.memory_space<vmem>>, vector<512x128xf32>
      %convert_element_type3A_218 = arith.truncf %get3A_217 : vector<512x128xf32> to vector<512x128xbf16>
      %dot_general3A = arith.constant dense<0.000000e+00> : vector<4096x128xf32>
      %dot_general3A_219 = tpu.matmul %convert_element_type3A_214, %convert_element_type3A_218, %dot_general3A {dimension_numbers = #tpu.dot_dimension_numbers<[1], [0], [0], [1], [0, 0, 1, 1], [], []>, transpose_lhs_hint = false} : vector<4096x512xbf16>, vector<512x128xbf16>, vector<4096x128xf32> -> vector<4096x128xf32>
      %get3A_220 = arith.constant 0 : index
      %get3A_221 = arith.constant 0 : index
      %get3A_222 = vector.load %arg6[%get3A_220, %get3A_221] : memref<1x128xf32, #tpu.memory_space<vmem>>, vector<1x128xf32>
      %add3A_223 = vector.broadcast %get3A_222 : vector<1x128xf32> to vector<4096x128xf32>
      %add3A_224 = arith.addf %dot_general3A_219, %add3A_223 : vector<4096x128xf32>
      %max3A = arith.constant 0.000000e+00 : f32
      %max3A_225 = vector.broadcast %max3A : f32 to vector<4096x128xf32>
      %max3A_226 = arith.maximumf %add3A_224, %max3A_225 : vector<4096x128xf32>
      %convert_element_type3A_227 = arith.truncf %max3A_226 : vector<4096x128xf32> to vector<4096x128xbf16>
      %swap3A = arith.constant 0 : index
      %swap3A_228 = arith.constant 0 : index
      %swap3A_229 = vector.load %arg12[%swap3A, %swap3A_228] : memref<4096x128xbf16, #tpu.memory_space<vmem>>, vector<4096x128xbf16>
      tpu.vector_store %arg12[%swap3A, %swap3A_228], %convert_element_type3A_227 {strides = array<i32>} : memref<4096x128xbf16, #tpu.memory_space<vmem>>, vector<4096x128xbf16>,
      %mul3A = arith.mulf %max3A_226, %max3A_226 : vector<4096x128xf32>
      %reduce_sum3A = arith.constant dense<0.000000e+00> : vector<4096xf32>
      %reduce_sum3A_230 = vector.multi_reduction <add>, %mul3A, %reduce_sum3A [1] : vector<4096x128xf32> to vector<4096xf32>
      %broadcast_in_dim3A_231 = vector.shape_cast %reduce_sum3A_230 : vector<4096xf32> to vector<4096x1xf32>
      %sqrt3A = math.sqrt %broadcast_in_dim3A_231 : vector<4096x1xf32>
      %max3A_232 = arith.constant 9.99999996E-13 : f32
      %max3A_233 = vector.broadcast %max3A_232 : f32 to vector<4096x1xf32>
      %max3A_234 = arith.maximumf %sqrt3A, %max3A_233 : vector<4096x1xf32>
      %div3A = vector.broadcast %max3A_234 : vector<4096x1xf32> to vector<4096x128xf32>
      %div3A_235 = arith.divf %max3A_226, %div3A : vector<4096x128xf32>
      %convert_element_type3A_236 = arith.truncf %div3A_235 : vector<4096x128xf32> to vector<4096x128xbf16>
      %swap3A_237 = arith.constant 0 : index
      %swap3A_238 = arith.constant 0 : index
      %swap3A_239 = vector.load %arg11[%swap3A_237, %swap3A_238] : memref<4096x128xbf16, #tpu.memory_space<vmem>>, vector<4096x128xbf16>
      tpu.vector_store %arg11[%swap3A_237, %swap3A_238], %convert_element_type3A_236 {strides = array<i32>} : memref<4096x128xbf16, #tpu.memory_space<vmem>>, vector<4096x128xbf16>,
      %mul3A_240 = arith.mulf %max3A_226, %select_n3A_207 : vector<4096x128xf32>
      %reduce_sum3A_241 = arith.constant dense<0.000000e+00> : vector<4096xf32>
      %reduce_sum3A_242 = vector.multi_reduction <add>, %mul3A_240, %reduce_sum3A_241 [1] : vector<4096x128xf32> to vector<4096xf32>
      %broadcast_in_dim3A_243 = vector.shape_cast %reduce_sum3A_242 : vector<4096xf32> to vector<4096x1xf32>
      %iota3A = tpu.iota {dimensions = array<i32: 1>} : vector<4096x16xi32>
      %get3A_244 = arith.constant 0 : index
      %get3A_245 = arith.constant 0 : index
      %get3A_246 = vector.load %arg7[%get3A_244, %get3A_245] : memref<4096x1xi32, #tpu.memory_space<vmem>>, vector<4096x1xi32>
      %eq3A_247 = vector.broadcast %get3A_246 : vector<4096x1xi32> to vector<4096x16xi32>
      %eq3A_248 = arith.cmpi eq, %eq3A_247, %iota3A : vector<4096x16xi32>
      %jit3A_249 = arith.constant 0xFF800000 : f32
      %broadcast_in_dim3A_250 = vector.shape_cast %broadcast_in_dim3A_243 : vector<4096x1xf32> to vector<4096x1xf32>
      %broadcast_in_dim3A_251 = vector.broadcast %broadcast_in_dim3A_250 : vector<4096x1xf32> to vector<4096x16xf32>
      %broadcast_in_dim3A_252 = vector.broadcast %jit3A_249 : f32 to vector<4096x16xf32>
      %select_n3A_253 = arith.select %eq3A_248, %broadcast_in_dim3A_251, %broadcast_in_dim3A_252 : vector<4096x16xi1>, vector<4096x16xf32>
      %reduce_max3A = arith.constant dense<0xFF800000> : vector<16xf32>
      %reduce_max3A_254 = vector.multi_reduction <maximumf>, %select_n3A_253, %reduce_max3A [0] : vector<4096x16xf32> to vector<16xf32>
      %broadcast_in_dim3A_255 = vector.shape_cast %reduce_max3A_254 : vector<16xf32> to vector<1x16xf32>
      %jit3A_256 = arith.constant 0.000000e+00 : f32
      %broadcast_in_dim3A_257 = vector.shape_cast %broadcast_in_dim3A_255 : vector<1x16xf32> to vector<1x16xf32>
      %broadcast_in_dim3A_258 = vector.broadcast %broadcast_in_dim3A_257 : vector<1x16xf32> to vector<4096x16xf32>
      %broadcast_in_dim3A_259 = vector.broadcast %jit3A_256 : f32 to vector<4096x16xf32>
      %select_n3A_260 = arith.select %eq3A_248, %broadcast_in_dim3A_258, %broadcast_in_dim3A_259 : vector<4096x16xi1>, vector<4096x16xf32>
      %reduce_sum3A_261 = arith.constant dense<0.000000e+00> : vector<4096xf32>
      %reduce_sum3A_262 = vector.multi_reduction <add>, %select_n3A_260, %reduce_sum3A_261 [1] : vector<4096x16xf32> to vector<4096xf32>
      %broadcast_in_dim3A_263 = vector.shape_cast %reduce_sum3A_262 : vector<4096xf32> to vector<4096x1xf32>
      %sub3A_264 = arith.subf %broadcast_in_dim3A_243, %broadcast_in_dim3A_263 : vector<4096x1xf32>
      %exp3A = math.exp %sub3A_264 : vector<4096x1xf32>
      %jit3A_265 = arith.constant 0.000000e+00 : f32
      %broadcast_in_dim3A_266 = vector.shape_cast %exp3A : vector<4096x1xf32> to vector<4096x1xf32>
      %broadcast_in_dim3A_267 = vector.broadcast %broadcast_in_dim3A_266 : vector<4096x1xf32> to vector<4096x16xf32>
      %broadcast_in_dim3A_268 = vector.broadcast %jit3A_265 : f32 to vector<4096x16xf32>
      %select_n3A_269 = arith.select %eq3A_248, %broadcast_in_dim3A_267, %broadcast_in_dim3A_268 : vector<4096x16xi1>, vector<4096x16xf32>
      %reduce_sum3A_270 = arith.constant dense<0.000000e+00> : vector<16xf32>
      %reduce_sum3A_271 = vector.multi_reduction <add>, %select_n3A_269, %reduce_sum3A_270 [0] : vector<4096x16xf32> to vector<16xf32>
      %broadcast_in_dim3A_272 = vector.shape_cast %reduce_sum3A_271 : vector<16xf32> to vector<1x16xf32>
      %jit3A_273 = arith.constant 0.000000e+00 : f32
      %broadcast_in_dim3A_274 = vector.shape_cast %broadcast_in_dim3A_272 : vector<1x16xf32> to vector<1x16xf32>
      %broadcast_in_dim3A_275 = vector.broadcast %broadcast_in_dim3A_274 : vector<1x16xf32> to vector<4096x16xf32>
      %broadcast_in_dim3A_276 = vector.broadcast %jit3A_273 : f32 to vector<4096x16xf32>
      %select_n3A_277 = arith.select %eq3A_248, %broadcast_in_dim3A_275, %broadcast_in_dim3A_276 : vector<4096x16xi1>, vector<4096x16xf32>
      %reduce_sum3A_278 = arith.constant dense<0.000000e+00> : vector<4096xf32>
      %reduce_sum3A_279 = vector.multi_reduction <add>, %select_n3A_277, %reduce_sum3A_278 [1] : vector<4096x16xf32> to vector<4096xf32>
      %broadcast_in_dim3A_280 = vector.shape_cast %reduce_sum3A_279 : vector<4096xf32> to vector<4096x1xf32>
      %div3A_281 = arith.divf %exp3A, %broadcast_in_dim3A_280 : vector<4096x1xf32>
      %convert_element_type3A_282 = arith.truncf %div3A_281 : vector<4096x1xf32> to vector<4096x1xbf16>
      %swap3A_283 = arith.constant 0 : index
      %swap3A_284 = arith.constant 0 : index
      %swap3A_285 = vector.load %arg13[%swap3A_283, %swap3A_284] : memref<4096x1xbf16, #tpu.memory_space<vmem>>, vector<4096x1xbf16>
      tpu.vector_store %arg13[%swap3A_283, %swap3A_284], %convert_element_type3A_282 {strides = array<i32>} : memref<4096x1xbf16, #tpu.memory_space<vmem>>, vector<4096x1xbf16>,
    } else {
    }
    %gt3A = arith.constant 0 : i32
    %gt3A_2 = arith.cmpi sgt, %arg0, %gt3A : i32
    %convert_element_type3A_3 = arith.extui %gt3A_2 : i1 to i32
    %cond3A_4 = arith.constant 0 : i32
    %cond3A_5 = arith.cmpi ne, %convert_element_type3A_3, %cond3A_4 : i32
    scf.if %cond3A_5 {
      %sub3A = arith.constant 1 : i32
      %sub3A_6 = arith.subi %arg0, %sub3A : i32
      %mul3A = arith.constant 1024 : i32
      %mul3A_7 = arith.muli %sub3A_6, %mul3A : i32
      %get3A = arith.index_cast %mul3A_7 : i32 to index
      %get3A_8 = arith.constant 0 : index
      %get3A_9 = vector.load %arg11[%get3A, %get3A_8] : memref<4096x128xbf16, #tpu.memory_space<vmem>>, vector<1024x128xbf16>
      %convert_element_type3A_10 = arith.extf %get3A_9 : vector<1024x128xbf16> to vector<1024x128xf32>
      %mul3A_11 = arith.mulf %convert_element_type3A_10, %convert_element_type3A_10 : vector<1024x128xf32>
      %reduce_sum3A = arith.constant dense<0.000000e+00> : vector<1024xf32>
      %reduce_sum3A_12 = vector.multi_reduction <add>, %mul3A_11, %reduce_sum3A [1] : vector<1024x128xf32> to vector<1024xf32>
      %broadcast_in_dim3A = vector.shape_cast %reduce_sum3A_12 : vector<1024xf32> to vector<1024x1xf32>
      %get3A_13 = arith.constant 0 : index
      %get3A_14 = arith.constant 0 : index
      %get3A_15 = vector.load %arg11[%get3A_13, %get3A_14] : memref<4096x128xbf16, #tpu.memory_space<vmem>>, vector<2048x128xbf16>
      %dot_general3A = arith.constant dense<0.000000e+00> : vector<1024x2048xf32>
      %dot_general3A_16 = tpu.matmul %get3A_9, %get3A_15, %dot_general3A {dimension_numbers = #tpu.dot_dimension_numbers<[1], [1], [0], [0], [0, 0, 1, 0], [], []>, transpose_lhs_hint = false} : vector<1024x128xbf16>, vector<2048x128xbf16>, vector<1024x2048xf32> -> vector<1024x2048xf32>
      %sub3A_17 = vector.broadcast %broadcast_in_dim3A : vector<1024x1xf32> to vector<1024x2048xf32>
      %sub3A_18 = arith.subf %dot_general3A_16, %sub3A_17 : vector<1024x2048xf32>
      %exp3A = math.exp %sub3A_18 : vector<1024x2048xf32>
      %reduce_sum3A_19 = arith.constant dense<0.000000e+00> : vector<1024xf32>
      %reduce_sum3A_20 = vector.multi_reduction <add>, %exp3A, %reduce_sum3A_19 [1] : vector<1024x2048xf32> to vector<1024xf32>
      %broadcast_in_dim3A_21 = vector.shape_cast %reduce_sum3A_20 : vector<1024xf32> to vector<1024x1xf32>
      %get3A_22 = arith.constant 2048 : index
      %get3A_23 = arith.constant 0 : index
      %get3A_24 = vector.load %arg11[%get3A_22, %get3A_23] : memref<4096x128xbf16, #tpu.memory_space<vmem>>, vector<2048x128xbf16>
      %dot_general3A_25 = arith.constant dense<0.000000e+00> : vector<1024x2048xf32>
      %dot_general3A_26 = tpu.matmul %get3A_9, %get3A_24, %dot_general3A_25 {dimension_numbers = #tpu.dot_dimension_numbers<[1], [1], [0], [0], [0, 0, 1, 0], [], []>, transpose_lhs_hint = false} : vector<1024x128xbf16>, vector<2048x128xbf16>, vector<1024x2048xf32> -> vector<1024x2048xf32>
      %sub3A_27 = vector.broadcast %broadcast_in_dim3A : vector<1024x1xf32> to vector<1024x2048xf32>
      %sub3A_28 = arith.subf %dot_general3A_26, %sub3A_27 : vector<1024x2048xf32>
      %exp3A_29 = math.exp %sub3A_28 : vector<1024x2048xf32>
      %reduce_sum3A_30 = arith.constant dense<0.000000e+00> : vector<1024xf32>
      %reduce_sum3A_31 = vector.multi_reduction <add>, %exp3A_29, %reduce_sum3A_30 [1] : vector<1024x2048xf32> to vector<1024xf32>
      %broadcast_in_dim3A_32 = vector.shape_cast %reduce_sum3A_31 : vector<1024xf32> to vector<1024x1xf32>
      %add3A = arith.addf %broadcast_in_dim3A_21, %broadcast_in_dim3A_32 : vector<1024x1xf32>
      %sub3A_33 = arith.constant 1.000000e+00 : f32
      %sub3A_34 = vector.broadcast %sub3A_33 : f32 to vector<1024x1xf32>
      %sub3A_35 = arith.subf %add3A, %sub3A_34 : vector<1024x1xf32>
      %div3A = arith.divf %sub3A_35, %add3A : vector<1024x1xf32>
      %convert_element_type3A_36 = arith.truncf %div3A : vector<1024x1xf32> to vector<1024x1xbf16>
      %mul3A_37 = arith.constant 1024 : i32
      %mul3A_38 = arith.muli %sub3A_6, %mul3A_37 : i32
      %get3A_39 = arith.index_cast %mul3A_38 : i32 to index
      %get3A_40 = arith.constant 0 : index
      %get3A_41 = vector.load %arg13[%get3A_39, %get3A_40] : memref<4096x1xbf16, #tpu.memory_space<vmem>>, vector<1024x1xbf16>
      %mul3A_42 = arith.constant 1024 : i32
      %mul3A_43 = arith.muli %sub3A_6, %mul3A_42 : i32
      %get3A_44 = arith.index_cast %mul3A_43 : i32 to index
      %get3A_45 = arith.constant 0 : index
      %get3A_46 = vector.load %arg12[%get3A_44, %get3A_45] : memref<4096x128xbf16, #tpu.memory_space<vmem>>, vector<1024x128xbf16>
      %concatenate3A = tpu.concatenate %convert_element_type3A_36, %get3A_41, %get3A_46 in 1 : vector<1024x1xbf16>, vector<1024x1xbf16>, vector<1024x128xbf16> -> vector<1024x130xbf16>
      %get3A_47 = arith.constant 0 : index
      %get3A_48 = arith.constant 0 : index
      %get3A_49 = vector.load %arg8[%get3A_47, %get3A_48] : memref<130x1xf32, #tpu.memory_space<vmem>>, vector<130x1xf32>
      %convert_element_type3A_50 = arith.truncf %get3A_49 : vector<130x1xf32> to vector<130x1xbf16>
      %dot_general3A_51 = arith.constant dense<0.000000e+00> : vector<1024x1xf32>
      %dot_general3A_52 = tpu.matmul %concatenate3A, %convert_element_type3A_50, %dot_general3A_51 {dimension_numbers = #tpu.dot_dimension_numbers<[1], [0], [0], [1], [0, 0, 1, 1], [], []>, transpose_lhs_hint = false} : vector<1024x130xbf16>, vector<130x1xbf16>, vector<1024x1xf32> -> vector<1024x1xf32>
      %get3A_53 = arith.constant 0 : index
      %get3A_54 = arith.constant 0 : index
      %get3A_55 = vector.load %arg9[%get3A_53, %get3A_54] : memref<1x1xf32, #tpu.memory_space<vmem>>, vector<1x1xf32>
      %add3A_56 = vector.broadcast %get3A_55 : vector<1x1xf32> to vector<1024x1xf32>
      %add3A_57 = arith.addf %dot_general3A_52, %add3A_56 : vector<1024x1xf32>
      %logistic3A = arith.negf %add3A_57 : vector<1024x1xf32>
      %logistic3A_58 = math.exp %logistic3A : vector<1024x1xf32>
      %logistic3A_59 = arith.constant 1.000000e+00 : f32
      %logistic3A_60 = vector.broadcast %logistic3A_59 : f32 to vector<1024x1xf32>
      %logistic3A_61 = arith.addf %logistic3A_60, %logistic3A_58 : vector<1024x1xf32>
      %logistic3A_62 = arith.divf %logistic3A_60, %logistic3A_61 : vector<1024x1xf32>
      %swap3A = arith.constant 0 : index
      %swap3A_63 = arith.constant 0 : index
      %swap3A_64 = vector.load %arg10[%swap3A, %swap3A_63] : memref<1024x1xf32, #tpu.memory_space<vmem>>, vector<1024x1xf32>
      tpu.vector_store %arg10[%swap3A, %swap3A_63], %logistic3A_62 {strides = array<i32>} : memref<1024x1xf32, #tpu.memory_space<vmem>>, vector<1024x1xf32>,
    } else {
    }
    return
  }
  func.func @transform_0(%arg0: i32) -> (i32, i32) {
    %c0_i32 = arith.constant 0 : i32
    %c0_i32_0 = arith.constant 0 : i32
    %c0_i32_1 = arith.constant 0 : i32
    return %c0_i32, %c0_i32_0 : i32, i32
  }
  func.func @transform_1(%arg0: i32) -> (i32, i32) {
    %c0_i32 = arith.constant 0 : i32
    %c0_i32_0 = arith.constant 0 : i32
    %c0_i32_1 = arith.constant 0 : i32
    return %c0_i32, %c0_i32_0 : i32, i32
  }
  func.func @transform_2(%arg0: i32) -> (i32, i32) {
    %c0_i32 = arith.constant 0 : i32
    %c0_i32_0 = arith.constant 0 : i32
    %c0_i32_1 = arith.constant 0 : i32
    return %c0_i32, %c0_i32_0 : i32, i32
  }
  func.func @transform_3(%arg0: i32) -> (i32, i32) {
    %c0_i32 = arith.constant 0 : i32
    %c0_i32_0 = arith.constant 0 : i32
    %c0_i32_1 = arith.constant 0 : i32
    return %c0_i32, %c0_i32_0 : i32, i32
  }
  func.func @transform_4(%arg0: i32) -> (i32, i32) {
    %c0_i32 = arith.constant 0 : i32
    %c0_i32_0 = arith.constant 0 : i32
    %c0_i32_1 = arith.constant 0 : i32
    return %c0_i32, %c0_i32_0 : i32, i32
  }
  func.func @transform_5(%arg0: i32) -> (i32, i32) {
    %c0_i32 = arith.constant 0 : i32
    %c0_i32_0 = arith.constant 0 : i32
    %c0_i32_1 = arith.constant 0 : i32
    return %c0_i32, %c0_i32_0 : i32, i32
  }
  func.func @transform_6(%arg0: i32) -> (i32, i32) {
    %c0_i32 = arith.constant 0 : i32
    %c0_i32_0 = arith.constant 0 : i32
    %c0_i32_1 = arith.constant 0 : i32
    return %c0_i32, %c0_i32_0 : i32, i32
  }
  func.func @transform_7(%arg0: i32) -> (i32, i32) {
    %c0_i32 = arith.constant 0 : i32
    %c0_i32_0 = arith.constant 0 : i32
    %c0_i32_1 = arith.constant 0 : i32
    return %c0_i32, %c0_i32_0 : i32, i32
  }
  func.func @transform_8(%arg0: i32) -> (i32, i32) {
    %c0_i32 = arith.constant 0 : i32
    %c0_i32_0 = arith.constant 0 : i32
    %c0_i32_1 = arith.constant 0 : i32
    return %c0_i32, %c0_i32_0 : i32, i32
  }
  func.func @transform_9(%arg0: i32) -> (i32, i32) {
    %sub3A = arith.constant 1 : i32
    %sub3A_0 = arith.subi %arg0, %sub3A : i32
    %max3A = arith.constant 0 : i32
    %max3A_1 = arith.maxsi %sub3A_0, %max3A : i32
    %c0_i32 = arith.constant 0 : i32
    %c0_i32_2 = arith.constant 0 : i32
    return %max3A_1, %c0_i32 : i32, i32
  }
}

module attributes {stable_mosaic.version = 14 : i64} {
  func.func @_rank_mask_kernel(%arg0: memref<32x128xf32, #tpu.memory_space<vmem>>, %arg1: memref<32x128xf32, #tpu.memory_space<vmem>>) attributes {dimension_semantics = [], scalar_prefetch = 0 : i64, scratch_operands = 0 : i64, tpu.core_type = #tpu.core_type<tc>} {
    %get3A = arith.constant 0 : index
    %get3A_0 = arith.constant 0 : index
    %get3A_1 = vector.load %arg0[%get3A, %get3A_0] : memref<32x128xf32, #tpu.memory_space<vmem>>, vector<32x128xf32>
    %bitcast_convert_type3A = tpu.bitcast %get3A_1 : vector<32x128xf32> -> vector<32x128xi32>
    %scan3A = arith.constant 0 : i32
    %scan3A_2 = arith.constant 1073741824 : i32
    %scan3A_3 = arith.constant 0 : i32
    %scan3A_4 = arith.constant 31 : i32
    %scan3A_5 = arith.addi %scan3A_3, %scan3A_4 : i32
    %scan3A_6 = arith.constant 1 : i32
    %scan3A_7:2 = scf.for %scan3A_88 = %scan3A_3 to %scan3A_5 step %scan3A_6 iter_args(%scan3A_89 = %scan3A, %scan3A_90 = %scan3A_2) -> (i32, i32)  : i32 {
      %add3A_91 = arith.addi %scan3A_89, %scan3A_90 : i32
      %shift_right_arithmetic3A = arith.constant 1 : i32
      %shift_right_arithmetic3A_92 = arith.shrsi %add3A_91, %shift_right_arithmetic3A : i32
      %le3A = vector.broadcast %shift_right_arithmetic3A_92 : i32 to vector<32x128xi32>
      %le3A_93 = arith.cmpi sle, %bitcast_convert_type3A, %le3A : vector<32x128xi32>
      %convert_element_type3A_94 = arith.extui %le3A_93 : vector<32x128xi1> to vector<32x128xi32>
      %reduce_sum3A_95 = vector.shape_cast %convert_element_type3A_94 : vector<32x128xi32> to vector<1x32x128xi32>
      %reduce_sum3A_96 = arith.constant dense<0> : vector<1xi32>
      %reduce_sum3A_97 = vector.multi_reduction <add>, %reduce_sum3A_95, %reduce_sum3A_96 [1, 2] : vector<1x32x128xi32> to vector<1xi32>
      %reduce_sum3A_98 = vector.shape_cast %reduce_sum3A_97 : vector<1xi32> to vector<1x1x1xi32>
      %reduce_sum3A_99 = vector.extract %reduce_sum3A_98[0, 0, 0] : i32 from vector<1x1x1xi32>
      %ge3A_100 = arith.constant 2048 : i32
      %ge3A_101 = arith.cmpi sge, %reduce_sum3A_99, %ge3A_100 : i32
      %add3A_102 = arith.constant 1 : i32
      %add3A_103 = arith.addi %shift_right_arithmetic3A_92, %add3A_102 : i32
      %select_n3A = arith.select %ge3A_101, %scan3A_89, %add3A_103 : i32
      %select_n3A_104 = arith.select %ge3A_101, %shift_right_arithmetic3A_92, %scan3A_90 : i32
      scf.yield %select_n3A, %select_n3A_104 : i32, i32
    }
    %lt3A = vector.broadcast %scan3A_7#0 : i32 to vector<32x128xi32>
    %lt3A_8 = arith.cmpi slt, %bitcast_convert_type3A, %lt3A : vector<32x128xi32>
    %convert_element_type3A = arith.extui %lt3A_8 : vector<32x128xi1> to vector<32x128xi32>
    %reduce_sum3A = vector.shape_cast %convert_element_type3A : vector<32x128xi32> to vector<1x32x128xi32>
    %reduce_sum3A_9 = arith.constant dense<0> : vector<1xi32>
    %reduce_sum3A_10 = vector.multi_reduction <add>, %reduce_sum3A, %reduce_sum3A_9 [1, 2] : vector<1x32x128xi32> to vector<1xi32>
    %reduce_sum3A_11 = vector.shape_cast %reduce_sum3A_10 : vector<1xi32> to vector<1x1x1xi32>
    %reduce_sum3A_12 = vector.extract %reduce_sum3A_11[0, 0, 0] : i32 from vector<1x1x1xi32>
    %sub3A = arith.constant 2048 : i32
    %sub3A_13 = arith.subi %sub3A, %reduce_sum3A_12 : i32
    %eq3A = vector.broadcast %scan3A_7#0 : i32 to vector<32x128xi32>
    %eq3A_14 = arith.cmpi eq, %bitcast_convert_type3A, %eq3A : vector<32x128xi32>
    %convert_element_type3A_15 = arith.extui %eq3A_14 : vector<32x128xi1> to vector<32x128xi32>
    %broadcast_in_dim3A = arith.constant 0 : i32
    %broadcast_in_dim3A_16 = vector.broadcast %broadcast_in_dim3A : i32 to vector<32x1xi32>
    %slice3A = vector.extract_strided_slice %convert_element_type3A_15 {offsets = [0, 0], sizes = [32, 127], strides = [1, 1]} : vector<32x128xi32> to vector<32x127xi32>
    %concatenate3A = tpu.concatenate %broadcast_in_dim3A_16, %slice3A in 1 : vector<32x1xi32>, vector<32x127xi32> -> vector<32x128xi32>
    %add3A = arith.addi %convert_element_type3A_15, %concatenate3A : vector<32x128xi32>
    %broadcast_in_dim3A_17 = arith.constant 0 : i32
    %broadcast_in_dim3A_18 = vector.broadcast %broadcast_in_dim3A_17 : i32 to vector<32x2xi32>
    %slice3A_19 = vector.extract_strided_slice %add3A {offsets = [0, 0], sizes = [32, 126], strides = [1, 1]} : vector<32x128xi32> to vector<32x126xi32>
    %concatenate3A_20 = tpu.concatenate %broadcast_in_dim3A_18, %slice3A_19 in 1 : vector<32x2xi32>, vector<32x126xi32> -> vector<32x128xi32>
    %add3A_21 = arith.addi %add3A, %concatenate3A_20 : vector<32x128xi32>
    %broadcast_in_dim3A_22 = arith.constant 0 : i32
    %broadcast_in_dim3A_23 = vector.broadcast %broadcast_in_dim3A_22 : i32 to vector<32x4xi32>
    %slice3A_24 = vector.extract_strided_slice %add3A_21 {offsets = [0, 0], sizes = [32, 124], strides = [1, 1]} : vector<32x128xi32> to vector<32x124xi32>
    %concatenate3A_25 = tpu.concatenate %broadcast_in_dim3A_23, %slice3A_24 in 1 : vector<32x4xi32>, vector<32x124xi32> -> vector<32x128xi32>
    %add3A_26 = arith.addi %add3A_21, %concatenate3A_25 : vector<32x128xi32>
    %broadcast_in_dim3A_27 = arith.constant 0 : i32
    %broadcast_in_dim3A_28 = vector.broadcast %broadcast_in_dim3A_27 : i32 to vector<32x8xi32>
    %slice3A_29 = vector.extract_strided_slice %add3A_26 {offsets = [0, 0], sizes = [32, 120], strides = [1, 1]} : vector<32x128xi32> to vector<32x120xi32>
    %concatenate3A_30 = tpu.concatenate %broadcast_in_dim3A_28, %slice3A_29 in 1 : vector<32x8xi32>, vector<32x120xi32> -> vector<32x128xi32>
    %add3A_31 = arith.addi %add3A_26, %concatenate3A_30 : vector<32x128xi32>
    %broadcast_in_dim3A_32 = arith.constant 0 : i32
    %broadcast_in_dim3A_33 = vector.broadcast %broadcast_in_dim3A_32 : i32 to vector<32x16xi32>
    %slice3A_34 = vector.extract_strided_slice %add3A_31 {offsets = [0, 0], sizes = [32, 112], strides = [1, 1]} : vector<32x128xi32> to vector<32x112xi32>
    %concatenate3A_35 = tpu.concatenate %broadcast_in_dim3A_33, %slice3A_34 in 1 : vector<32x16xi32>, vector<32x112xi32> -> vector<32x128xi32>
    %add3A_36 = arith.addi %add3A_31, %concatenate3A_35 : vector<32x128xi32>
    %broadcast_in_dim3A_37 = arith.constant 0 : i32
    %broadcast_in_dim3A_38 = vector.broadcast %broadcast_in_dim3A_37 : i32 to vector<32x32xi32>
    %slice3A_39 = vector.extract_strided_slice %add3A_36 {offsets = [0, 0], sizes = [32, 96], strides = [1, 1]} : vector<32x128xi32> to vector<32x96xi32>
    %concatenate3A_40 = tpu.concatenate %broadcast_in_dim3A_38, %slice3A_39 in 1 : vector<32x32xi32>, vector<32x96xi32> -> vector<32x128xi32>
    %add3A_41 = arith.addi %add3A_36, %concatenate3A_40 : vector<32x128xi32>
    %broadcast_in_dim3A_42 = arith.constant 0 : i32
    %broadcast_in_dim3A_43 = vector.broadcast %broadcast_in_dim3A_42 : i32 to vector<32x64xi32>
    %slice3A_44 = vector.extract_strided_slice %add3A_41 {offsets = [0, 0], sizes = [32, 64], strides = [1, 1]} : vector<32x128xi32> to vector<32x64xi32>
    %concatenate3A_45 = tpu.concatenate %broadcast_in_dim3A_43, %slice3A_44 in 1 : vector<32x64xi32>, vector<32x64xi32> -> vector<32x128xi32>
    %add3A_46 = arith.addi %add3A_41, %concatenate3A_45 : vector<32x128xi32>
    %sub3A_47 = arith.subi %add3A_46, %convert_element_type3A_15 : vector<32x128xi32>
    %reduce_sum3A_48 = arith.constant dense<0> : vector<32xi32>
    %reduce_sum3A_49 = vector.multi_reduction <add>, %convert_element_type3A_15, %reduce_sum3A_48 [1] : vector<32x128xi32> to vector<32xi32>
    %broadcast_in_dim3A_50 = vector.shape_cast %reduce_sum3A_49 : vector<32xi32> to vector<32x1xi32>
    %broadcast_in_dim3A_51 = arith.constant 0 : i32
    %broadcast_in_dim3A_52 = vector.broadcast %broadcast_in_dim3A_51 : i32 to vector<1x1xi32>
    %slice3A_53 = vector.extract_strided_slice %broadcast_in_dim3A_50 {offsets = [0, 0], sizes = [31, 1], strides = [1, 1]} : vector<32x1xi32> to vector<31x1xi32>
    %concatenate3A_54 = tpu.concatenate %broadcast_in_dim3A_52, %slice3A_53 in 0 : vector<1x1xi32>, vector<31x1xi32> -> vector<32x1xi32>
    %add3A_55 = arith.addi %broadcast_in_dim3A_50, %concatenate3A_54 : vector<32x1xi32>
    %broadcast_in_dim3A_56 = arith.constant 0 : i32
    %broadcast_in_dim3A_57 = vector.broadcast %broadcast_in_dim3A_56 : i32 to vector<2x1xi32>
    %slice3A_58 = vector.extract_strided_slice %add3A_55 {offsets = [0, 0], sizes = [30, 1], strides = [1, 1]} : vector<32x1xi32> to vector<30x1xi32>
    %concatenate3A_59 = tpu.concatenate %broadcast_in_dim3A_57, %slice3A_58 in 0 : vector<2x1xi32>, vector<30x1xi32> -> vector<32x1xi32>
    %add3A_60 = arith.addi %add3A_55, %concatenate3A_59 : vector<32x1xi32>
    %broadcast_in_dim3A_61 = arith.constant 0 : i32
    %broadcast_in_dim3A_62 = vector.broadcast %broadcast_in_dim3A_61 : i32 to vector<4x1xi32>
    %slice3A_63 = vector.extract_strided_slice %add3A_60 {offsets = [0, 0], sizes = [28, 1], strides = [1, 1]} : vector<32x1xi32> to vector<28x1xi32>
    %concatenate3A_64 = tpu.concatenate %broadcast_in_dim3A_62, %slice3A_63 in 0 : vector<4x1xi32>, vector<28x1xi32> -> vector<32x1xi32>
    %add3A_65 = arith.addi %add3A_60, %concatenate3A_64 : vector<32x1xi32>
    %broadcast_in_dim3A_66 = arith.constant 0 : i32
    %broadcast_in_dim3A_67 = vector.broadcast %broadcast_in_dim3A_66 : i32 to vector<8x1xi32>
    %slice3A_68 = vector.extract_strided_slice %add3A_65 {offsets = [0, 0], sizes = [24, 1], strides = [1, 1]} : vector<32x1xi32> to vector<24x1xi32>
    %concatenate3A_69 = tpu.concatenate %broadcast_in_dim3A_67, %slice3A_68 in 0 : vector<8x1xi32>, vector<24x1xi32> -> vector<32x1xi32>
    %add3A_70 = arith.addi %add3A_65, %concatenate3A_69 : vector<32x1xi32>
    %broadcast_in_dim3A_71 = arith.constant 0 : i32
    %broadcast_in_dim3A_72 = vector.broadcast %broadcast_in_dim3A_71 : i32 to vector<16x1xi32>
    %slice3A_73 = vector.extract_strided_slice %add3A_70 {offsets = [0, 0], sizes = [16, 1], strides = [1, 1]} : vector<32x1xi32> to vector<16x1xi32>
    %concatenate3A_74 = tpu.concatenate %broadcast_in_dim3A_72, %slice3A_73 in 0 : vector<16x1xi32>, vector<16x1xi32> -> vector<32x1xi32>
    %add3A_75 = arith.addi %add3A_70, %concatenate3A_74 : vector<32x1xi32>
    %sub3A_76 = arith.subi %add3A_75, %broadcast_in_dim3A_50 : vector<32x1xi32>
    %add3A_77 = vector.broadcast %sub3A_76 : vector<32x1xi32> to vector<32x128xi32>
    %add3A_78 = arith.addi %add3A_77, %sub3A_47 : vector<32x128xi32>
    %gt3A = vector.broadcast %scan3A_7#0 : i32 to vector<32x128xi32>
    %gt3A_79 = arith.cmpi sgt, %bitcast_convert_type3A, %gt3A : vector<32x128xi32>
    %eq3A_80 = arith.constant 1 : i32
    %eq3A_81 = vector.broadcast %eq3A_80 : i32 to vector<32x128xi32>
    %eq3A_82 = arith.cmpi eq, %convert_element_type3A_15, %eq3A_81 : vector<32x128xi32>
    %ge3A = vector.broadcast %sub3A_13 : i32 to vector<32x128xi32>
    %ge3A_83 = arith.cmpi sge, %add3A_78, %ge3A : vector<32x128xi32>
    %and3A = arith.andi %eq3A_82, %ge3A_83 : vector<32x128xi1>
    %or3A = arith.ori %gt3A_79, %and3A : vector<32x128xi1>
    %convert_element_type3A_84 = arith.extui %or3A : vector<32x128xi1> to vector<32x128xi32>
    %convert_element_type3A_85 = arith.sitofp %convert_element_type3A_84 : vector<32x128xi32> to vector<32x128xf32>
    %swap3A = arith.constant 0 : index
    %swap3A_86 = arith.constant 0 : index
    %swap3A_87 = vector.load %arg1[%swap3A, %swap3A_86] : memref<32x128xf32, #tpu.memory_space<vmem>>, vector<32x128xf32>
    tpu.vector_store %arg1[%swap3A, %swap3A_86], %convert_element_type3A_85 {strides = array<i32>} : memref<32x128xf32, #tpu.memory_space<vmem>>, vector<32x128xf32>,
    return
  }
}

</mosaic_0001>

<sc_bundles>
// kernel: kernel.5.cloned.1.call-start
scs
__scs_entry_jumppad:
0x0: {  	(pc) =	sbr.rel $0x88, $3  }
0x1: {  	(tag) =	ssettag $0x0;
	lr =	simm.s32 $0x1  }
0x2: {  	[smem:$0x3F97] =	sst lr;
	_ =	strace $0xD0000000  }
0x3: {  	_ = 	snop  }
0x4: {  	_ = 	snop  }
0x5: {  	_ = 	snop  }
0x6: {  	_ = 	snop  }
0x7: {  	_ = 	snop  }
__scs_overlays_trampoline_lowered:
0x8: {  	[smem:$0x3FA6] =	sst s0  }
0x9: {  	[smem:$0x3FA7] =	sst s1  }
0xa: {  	[smem:$0x3FA8] =	sst s2  }
0xb: {  	[smem:$0x3FA9] =	sst s3  }
0xc: {  	[smem:$0x3FAA] =	sst s4  }
0xd: {  	[smem:$0x3FAB] =	sst s5  }
0xe: {  	[smem:$0x3FAC] =	sst s6  }
0xf: {  	[smem:$0x3FAD] =	sst s7  }
0x10: {  	[smem:$0x3FAE] =	sst s8  }
0x11: {  	[smem:$0x3FAF] =	sst s9;
	s0 =	simm.s32 @!p0 $0x0  }
0x12: {  	s1 =	sld [smem:$0x3F95];
	s0 =	simm.s32 @p0 $0x1  }
0x13: {  	[smem:$0x3FB0] =	sst s0;
	s0 =	simm.s32 @!p1 $0x0  }
0x14: {  	s2 =	sld [smem:$0x3F94];
	s0 =	simm.s32 @p1 $0x1  }
0x15: {  	[smem:$0x3FB1] =	sst s0;
	s0 =	simm.s32 @!p2 $0x0  }
0x16: {  	s3 =	sld [smem:$0x3FDB];
	s0 =	simm.s32 @p2 $0x1  }
0x17: {  	s4 =	simm.s32 $0x1BF5;
	[smem:$0x3FB3] =	sst s0  }
0x18: {  	s0 =	sld [smem:$0x3F96];
	_ =	swait.ge [sflag:s4], $0x0  }
0x19: {  	s7 =	sld [smem:$0x3F97]  }
0x1a: {  	s8 =	sadd.s32 $0xFFFFE003, lr  }
0x1b: {  	s9 =	sadd.s32 $0xFFFFFEF7, lr;
	s5 =	simm.s32 $0xFFFFFFFF;
	p2 =	slt.u32 s8, $0xFFFFF086  }
0x1c: {  	p1 =	slt.u32 s9, $0xF7A;
	s5 =	simm.s32 @!p2 $0x0  }
0x1d: {  	s5 =	simm.s32 @p1 $0x1;
	p0 =	seq.s32 s7, s2  }
0x1e: {  	s7 =	smul.u32 @!p0 $0xF7A, s2;
	p2 =	seq.s32 @!p0 s5, $0x0  }
0x1f: {  	s9 =	smul.u32 $0xF7A, s1;
	s8 =	simm.s32 @!p0 $0x1BF5;
	p2 =	por !p2, p0  }
0x20: {  	[sflag:s8] =	ssyncset.s32 @!p0 $0xFFFFF086;
	s6 =	sadd.s32 @!p0 s3, s7;
	s7 =	simm.s32 @!p0 $0x108  }
0x21: {  	s3 =	sadd.s32 s3, s9;
	s6 =	sadd.s32 @!p0 $0x88, s6;
	s7 =	simm.s32 @p2 $0x1082  }
0x22: {  	[simem:s7], [sflag:s8] =	dma.local @!p0 [hbm:s6], $0xF7A  }
0x23: {  	s9 =	sor.u32 $0xD0000000, s2;
	s6 =	simm.s32 $0x108;
	_ =	swait.ge @!p0 [sflag:s8], $0x0  }
0x24: {  	s3 =	sadd.s32 $0x88, s3;
	s6 =	simm.s32 @!p1 $0x1082;
	[sflag:s4] =	ssyncset.s32 $0xFFFFF086  }
0x25: {  	[simem:s6], [sflag:s4] =	dma.local [hbm:s3], $0xF7A  }
0x26: {  	[smem:$0x3F97] =	sst s1;
	(tag) =	ssettag s2;
	_ =	strace s9  }
0x27: {  	s1 =	sld [smem:$0x3FA7]  }
0x28: {  	s2 =	sld [smem:$0x3FA8]  }
0x29: {  	s4 =	sld [smem:$0x3FAA]  }
0x2a: {  	p0 =	seq.s32 s5, $0x0;
	s5 =	sld [smem:$0x3FAB]  }
0x2b: {  	s6 =	sld [smem:$0x3FAC]  }
0x2c: {  	s7 =	sld [smem:$0x3FAD]  }
0x2d: {  	s3 =	simm.s32 $0x108;
	s8 =	sld [smem:$0x3FAE]  }
0x2e: {  	s3 =	simm.s32 @!p0 $0x1082;
	s9 =	sld [smem:$0x3FAF]  }
0x2f: {  	lr =	sadd.s32 s0, s3;
	s0 =	sld [smem:$0x3FA6]  }
0x30: {  	s3 =	sld [smem:$0x3FA9]  }
0x31: {  	[smem:$0x3FB2] =	sst s10  }
0x32: {  	s10 =	sld [smem:$0x3FB0];
	_ =	sdelay $0x3  }
0x33: {  	p0 =	seq.s32 s10, $0x1;
	s10 =	sld [smem:$0x3FB2];
	_ =	sdelay $0x3  }
0x34: {  	[smem:$0x3FB2] =	sst s10  }
0x35: {  	s10 =	sld [smem:$0x3FB1];
	_ =	sdelay $0x3  }
0x36: {  	p1 =	seq.s32 s10, $0x1;
	s10 =	sld [smem:$0x3FB2];
	_ =	sdelay $0x3  }
0x37: {  	[smem:$0x3FB2] =	sst s10  }
0x38: {  	s10 =	sld [smem:$0x3FB3]  }
0x39: {  	_ = 	snop;
	(pc) =	sbr.ind lr, $3  }
0x3a: {  	_ = 	snop  }
0x3b: {  	_ = 	snop  }
0x3c: {  	p2 =	seq.s32 s10, $0x1;
	s10 =	sld [smem:$0x3FB2]  }
0x3d: {  	_ =	shalt  }
0x3e: {  	_ =	shalt  }
0x3f: {  	_ =	shalt  }
0x40: {  	_ =	shalt  }
0x41: {  	_ =	shalt  }
0x42: {  	_ =	shalt  }
0x43: {  	_ =	shalt  }
0x44: {  	_ =	shalt  }
0x45: {  	_ =	shalt  }
0x46: {  	_ =	shalt  }
0x47: {  	_ =	shalt  }
0x48: {  	_ =	shalt  }
0x49: {  	_ =	shalt  }
0x4a: {  	_ =	shalt  }
0x4b: {  	_ =	shalt  }
0x4c: {  	_ =	shalt  }
0x4d: {  	_ =	shalt  }
0x4e: {  	_ =	shalt  }
0x4f: {  	_ =	shalt  }
0x50: {  	_ =	shalt  }
0x51: {  	_ =	shalt  }
0x52: {  	_ =	shalt  }
0x53: {  	_ =	shalt  }
0x54: {  	_ =	shalt  }
0x55: {  	_ =	shalt  }
0x56: {  	_ =	shalt  }
0x57: {  	_ =	shalt  }
0x58: {  	_ =	shalt  }
0x59: {  	_ =	shalt  }
0x5a: {  	_ =	shalt  }
0x5b: {  	_ =	shalt  }
0x5c: {  	_ =	shalt  }
0x5d: {  	_ =	shalt  }
0x5e: {  	_ =	shalt  }
0x5f: {  	_ =	shalt  }
0x60: {  	_ =	shalt  }
0x61: {  	_ =	shalt  }
0x62: {  	_ =	shalt  }
0x63: {  	_ =	shalt  }
0x64: {  	_ =	shalt  }
0x65: {  	_ =	shalt  }
0x66: {  	_ =	shalt  }
0x67: {  	_ =	shalt  }
0x68: {  	_ =	shalt  }
0x69: {  	_ =	shalt  }
0x6a: {  	_ =	shalt  }
0x6b: {  	_ =	shalt  }
0x6c: {  	_ =	shalt  }
0x6d: {  	_ =	shalt  }
0x6e: {  	_ =	shalt  }
0x6f: {  	_ =	shalt  }
0x70: {  	_ =	shalt  }
0x71: {  	_ =	shalt  }
0x72: {  	_ =	shalt  }
0x73: {  	_ =	shalt  }
0x74: {  	_ =	shalt  }
0x75: {  	_ =	shalt  }
0x76: {  	_ =	shalt  }
0x77: {  	_ =	shalt  }
0x78: {  	_ =	shalt  }
0x79: {  	_ =	shalt  }
0x7a: {  	_ =	shalt  }
0x7b: {  	_ =	shalt  }
0x7c: {  	_ =	shalt  }
0x7d: {  	_ =	shalt  }
0x7e: {  	_ =	shalt  }
0x7f: {  	_ =	shalt  }
0x80: {  	_ =	shalt  }
0x81: {  	_ =	shalt  }
0x82: {  	_ =	shalt  }
0x83: {  	_ =	shalt  }
0x84: {  	_ =	shalt  }
0x85: {  	_ =	shalt  }
0x86: {  	_ =	shalt  }
0x87: {  	_ =	shalt  }
.Lfunc_end0:
.L_simem_size_0:
called_computation_lowered:
.L_overlay_start_0:
0x88: {  	s2 =	sld [smem:$0x3FD9]  }
0x89: {  	s3 =	sld [smem:$0x3FFE];
	_ =	sdelay $0x1  }
0x8a: {  	s1 =	srdreg.scid  }
0x8b: {  	s0 =	sand.u32 $0x1, s1  }
0x8c: {  	s14 =	sshll.u32 s0, $0xA;
	s2 =	sadd.s32 s3, s2  }
0x8d: {  	s2 =	sadd.s32 s2, s14  }
0x8e: {  	[smem:$0x3FBE] =	sst s2  }
0x8f: {  	_ = 	snop  }
0x90: {  	s2 =	sld [smem:$0x3FD0];
	_ =	sdelay $0x1  }
0x91: {  	s15 =	sld [smem:$0x3FC9]  }
0x92: {  	s5 =	simm.s32 $0xA;
	s6 =	simm.s32 $0x10;
	s4 =	sld [smem:$0x3FC4]  }
0x93: {  	[smem:s6], [sflag:s5] =	dma.local [hbm:s2], $0x1  }
0x94: {  	_ =	swait.eq [sflag:s5], $0x1  }
0x95: {  	[sflag:s5] =	ssyncset.done $0x0  }
0x96: {  	[sflag:s5] =	ssyncadd.s32 $0xFFFFFFFF  }
0x97: {  	s16 =	sld [smem:$0x10];
	(tm) =	ssettm $0x1  }
0x98: {  	s17 =	sld [smem:$0x3FFB];
	_ =	sdelay $0x3  }
0x99: {  	_ =	strace s17  }
0x9a: {  	s5 =	sld [smem:$0x3FFC];
	_ =	sdelay $0x3  }
0x9b: {  	_ =	strace s5  }
0x9c: {  	s5 =	sld [smem:$0x3FFD];
	_ =	sdelay $0x3  }
0x9d: {  	_ =	strace s5  }
0x9e: {  	_ =	strace $0x8FFFFFFF  }
0x9f: {  	s18 =	sld [smem:$0x3FDB];
	_ =	sdelay $0x1  }
0xa0: {  	s19 =	simm.s32 $_scs_section_size  }
0xa1: {  	s7 =	simm.s32 $_size__tile_overlayer_lowered;
	s8 =	simm.s32 $_tile_overlayer_lowered  }
0xa2: {  	s22 =	simm.s32 $0x1BFF;
	s21 =	sshll.u32 s8, $0x1;
	s5 =	sadd.s32 s19, s18  }
0xa3: {  	s9 =	simm.s32 $0x0;
	s20 =	sshll.u32 s7, $0x1;
	s7 =	sadd.s32 s21, s5  }
0xa4: {  	[timem:s9], [sflag:s22] =	dma.local [hbm:s7], s20  }
0xa5: {  	_ =	swait.ge [sflag:s22], s20  }
0xa6: {  	s6 =	ssub.s32 $0x0, s20;
	[sflag:s22] =	ssyncset.done $0x0  }
0xa7: {  	[sflag:s22] =	ssyncadd.s32 s6;
	_ =	sdelay $0x1  }
0xa8: {  	s23 =	simm.s32 $0x1B8B  }
0xa9: {  	_ =	swait.ge [sflag:s23], $0x1  }
0xaa: {  	[sflag:s23] =	ssyncset.done $0x0  }
0xab: {  	s25 =	simm.s32 $0x1B8E;
	s24 =	sld [smem:$0x3FFE];
	[sflag:s23] =	ssyncadd.s32 $0xFFFFFFFF  }
0xac: {  	s26 =	simm.s32 $execute0_lowered;
	[smem:$0x3FD2] =	sst s25  }
0xad: {  	s7 =	sshll.u32 s26, $0x1;
	_ =	strace $0x80000046;
	[dreg:$0x1] =	wrdreg $0xFFFFFFFF  }
0xae: {  	s28 =	simm.s32 $_size_execute0_lowered;
	s5 =	sadd.s32 s5, s7;
	[dreg:$0x0] =	wrdreg $0x0  }
0xaf: {  	s7 =	sshll.u32 s28, $0x1;
	[dreg:$0x2] =	wrdreg s5  }
0xb0: {  	[dreg:$0x3] =	wrdreg s7  }
0xb1: {  	[dreg:$0x4] =	wrdreg $0xC0  }
0xb2: {  	_ =	task [dreg:s9], $0x5FFFF  }
0xb3: {  	[dreg:$0x1] =	wrdreg $0xFFFFFFFF  }
0xb4: {  	[dreg:$0x0] =	wrdreg $0x60  }
0xb5: {  	[dreg:$0x2] =	wrdreg s15  }
0xb6: {  	[dreg:$0x3] =	wrdreg s24  }
0xb7: {  	[dreg:$0x4] =	wrdreg s4  }
0xb8: {  	[dreg:$0x5] =	wrdreg s16  }
0xb9: {  	[dreg:$0x6] =	wrdreg $0x9  }
0xba: {  	_ =	task.clear_ibuf [dreg:s9], $0x7FFFF;
	_ =	strace $0x90000046  }
0xbb: {  	s29 =	simm.s32 $0x9;
	_ =	strace $0x80000048  }
0xbc: {  	_ =	swait.ge [sflag:s29], $0x1  }
0xbd: {  	[sflag:s29] =	ssyncadd.s32 $0xFFFFFFFF  }
0xbe: {  	_ =	strace $0x90000048  }
0xbf: {  	_ =	sfence  }
0xc0: {  	s30 =	sld [smem:$0x0];
	_ =	sdelay $0x2  }
0xc1: {  	s31 =	sshll.u32 s1, $0xD;
	s1 =	sshrl.u32 s1, $0x2  }
0xc2: {  	s3 =	sand.u32 $0x4000, s31;
	s1 =	sadd.s32 s1, s30  }
0xc3: {  	s0 =	sor.u32 s3, s0;
	s1 =	sshll.u32 s1, $0x11  }
0xc4: {  	s0 =	sor.u32 s1, s0  }
0xc5: {  	s0 =	sadd.s32 $0x8F2B, s0  }
0xc6: {  	[sflag:s0] =	ssyncadd.remote.s32 $0x1  }
0xc7: {  	_ =	sfence.sel $0xFFFF  }
0xc8: {  	[dreg:$0x0] =	wrdreg $0xFFFFFFFF;
	(pc) =	sbr.abs _section_cstart, $3  }
0xc9: {  	[dreg:$0x1] =	wrdreg $0xFFFFFFFF  }
0xca: {  	_ =	task.clear_ibuf [dreg:s9], $0x2FFFF;
	_ =	strace $0x9FFFFFFF  }
0xcb: {  	(tm) =	ssettm $0x7FFFFFFF  }
tec
execute0_lowered:
.L_overlay_start_1:
0x0: {  	(tag) =	ssettag $0x1  }
0x1: {  	s1 =	rddreg [dreg:$0x0]  }
0x2: {  	s16 =	rddreg [dreg:$0x1]  }
0x3: {  	s2 =	srdreg.scid;
	s0 =	stileid.u32  }
0x4: {  	s3 =	rddreg [dreg:$0x2];
	s15 =	sand.u32 $0x1, s2;
	s30 =	sshll.u32 s0, $0x1  }
0x5: {  	s4 =	rddreg [dreg:$0x3];
	s17 =	sor.u32 s15, s30  }
0x6: {  	s5 =	simm.s32 $0x0;
	s2 =	rddreg [dreg:$0x4];
	s6 =	sshll.u32 s17, $0x5  }
0x7: {  	[smem:$0x7FF] =	sst s5;
	s6 =	sadd.s32 s6, s16  }
0x8: {  	_ =	strace $0x80000047;
	s7 =	sadd.s32 $0x1800, s6;
	s6 =	simm.s32 $0x3  }
0x9: {  	[tilespmem:s5], [sflag:$0x3] =	stream.linear.gather [hbm4b:s7+s5], $0x100, $0x38;
	[tilespmem:$0x8980] =	vst v63  }
0xa: {  	_ =	swait.ge [sflag:s6], $0x100  }
0xb: {  	[sflag:s6] =	ssyncset.done $0x0  }
0xc: {  	s8 =	simm.s32 $0x100;
	p0 =	sne.s32 s17, $0x0;
	[sflag:s6] =	ssyncadd.s32 $0xFFFFFF00  }
0xd: {  	[tilespmem:s8], [sflag:$0x1] =	stream.indirect.gather [hbm4b:s1+s8], $0x80, s5, s8, $0xb8;
	[tilespmem:$0x8980] =	vst v63  }
0xe: {  	s9 =	simm.s32 @!p0 $0x0;
	s10 =	simm.s32 @!p0 $0x8100;
	s11 =	simm.s32 @!p0 $0x3  }
0xf: {  	[tilespmem:s10], [sflag:$0x3] =	stream.linear.gather @!p0 [hbm4b:s3+s9], $0x80, $0x38;
	[tilespmem:$0x8980] =	vst v63  }
0x10: {  	_ =	swait.ge @!p0 [sflag:s11], $0x80  }
0x11: {  	s12 =	simm.s32 @!p0 $0x2;
	[sflag:s11] =	ssyncset.done @!p0 $0x0  }
0x12: {  	s13 =	simm.s32 @!p0 $0x10;
	s14 =	simm.s32 @!p0 $0x8180;
	[sflag:s11] =	ssyncadd.s32 @!p0 $0xFFFFFF80  }
0x13: {  	[tilespmem:s14], [sflag:$0x2] =	stream.indirect.gather @!p0 [hbm4b:s1+s13], $0x80, s10, s13, $0xb8;
	[tilespmem:$0x8980] =	vst v63  }
0x14: {  	_ =	swait.ge @!p0 [sflag:s12], $0x800  }
0x15: {  	s18 =	ssub.s32 $0x2, s15;
	[sflag:s12] =	ssyncset.done @!p0 $0x0  }
0x16: {  	s19 =	sshrl.u32 s18, $0x1;
	[sflag:s12] =	ssyncadd.s32 @!p0 $0xFFFFF800  }
0x17: {  	[hbm4b:s4+s9] =	stream.linear.scatter @!p0 [tilespmem:s14], [sflag:$0x3], $0x800, $0x38;
	[tilespmem:$0x8980] =	vst v63  }
0x18: {  	s15 =	simm.s32 $0x1;
	s18 =	ssub.s32 s18, s19;
	_ =	swait.ge @!p0 [sflag:s11], $0x800  }
0x19: {  	s17 =	sshll.u32 s17, $0xC;
	s31 =	smax.u32 s18, $0x1;
	[sflag:s11] =	ssyncset.done @!p0 $0x0  }
0x1a: {  	s16 =	sadd.s32 s17, s16;
	s17 =	sadd.s32 $0xFFFFFFFF, s31;
	[sflag:s11] =	ssyncadd.s32 @!p0 $0xFFFFF800  }
0x1b: {  	p1 =	sne.s32 s17, $0x0;
	_ =	swait.ge [sflag:s15], $0x8000  }
.Ltmp0:
0x1c: {  	[sflag:s15] =	ssyncset.done $0x0;
	(pc) =	sbr.rel @!p1 .LBB2_2-.Ltmp0, $4  }
0x1d: {  	s16 =	sadd.s32 $0x1C00, s16;
	[sflag:s15] =	ssyncadd.s32 $0xFFFF8000  }
0x1e: {  	[hbm4b:s16+s5] =	stream.linear.scatter [tilespmem:s8], [sflag:$0x3], $0x8000, $0x38;
	[tilespmem:$0x8980] =	vst v63  }
0x1f: {  	_ =	swait.ge [sflag:s6], $0x8000  }
0x20: {  	[sflag:s6] =	ssyncset.done $0x0  }
.LBB2_1:
0x21: {  	s17 =	sadd.s32 $0xFFFFFFFF, s17;
	[sflag:s6] =	ssyncadd.s32 $0xFFFF8000  }
0x22: {  	[tilespmem:s5], [sflag:$0x3] =	stream.linear.gather [hbm4b:s7+s5], $0x100, $0x38;
	[tilespmem:$0x8980] =	vst v63  }
0x23: {  	p1 =	sne.s32 s17, $0x0;
	_ =	swait.ge [sflag:s6], $0x100  }
0x24: {  	[sflag:s6] =	ssyncset.done $0x0  }
0x25: {  	[sflag:s6] =	ssyncadd.s32 $0xFFFFFF00  }
0x26: {  	[tilespmem:s8], [sflag:$0x1] =	stream.indirect.gather [hbm4b:s1+s8], $0x80, s5, s8, $0xb8;
	[tilespmem:$0x8980] =	vst v63  }
0x27: {  	_ = 	snop  }
0x28: {  	[tilespmem:s10], [sflag:$0x3] =	stream.linear.gather @!p0 [hbm4b:s3+s9], $0x80, $0x38;
	[tilespmem:$0x8980] =	vst v63  }
0x29: {  	_ =	swait.ge @!p0 [sflag:s11], $0x80  }
0x2a: {  	[sflag:s11] =	ssyncset.done @!p0 $0x0  }
0x2b: {  	[sflag:s11] =	ssyncadd.s32 @!p0 $0xFFFFFF80  }
0x2c: {  	[tilespmem:s14], [sflag:$0x2] =	stream.indirect.gather @!p0 [hbm4b:s1+s13], $0x80, s10, s13, $0xb8;
	[tilespmem:$0x8980] =	vst v63  }
0x2d: {  	_ =	swait.ge @!p0 [sflag:s12], $0x800  }
0x2e: {  	[sflag:s12] =	ssyncset.done @!p0 $0x0  }
0x2f: {  	[sflag:s12] =	ssyncadd.s32 @!p0 $0xFFFFF800  }
0x30: {  	[hbm4b:s4+s9] =	stream.linear.scatter @!p0 [tilespmem:s14], [sflag:$0x3], $0x800, $0x38;
	[tilespmem:$0x8980] =	vst v63  }
0x31: {  	_ =	swait.ge @!p0 [sflag:s11], $0x800  }
0x32: {  	[sflag:s11] =	ssyncset.done @!p0 $0x0  }
0x33: {  	[sflag:s11] =	ssyncadd.s32 @!p0 $0xFFFFF800  }
0x34: {  	_ =	swait.ge [sflag:s15], $0x8000  }
.Ltmp1:
0x35: {  	[sflag:s15] =	ssyncset.done $0x0;
	(pc) =	sbr.rel @p1 .LBB2_1-.Ltmp1, $4  }
0x36: {  	[sflag:s15] =	ssyncadd.s32 $0xFFFF8000  }
0x37: {  	[hbm4b:s16+s5] =	stream.linear.scatter [tilespmem:s8], [sflag:$0x3], $0x8000, $0x38;
	[tilespmem:$0x8980] =	vst v63  }
0x38: {  	_ =	swait.ge [sflag:s6], $0x8000  }
0x39: {  	[sflag:s6] =	ssyncset.done $0x0  }
.LBB2_2:
0x3a: {  	[sflag:s6] =	ssyncadd.s32 $0xFFFF8000  }
0x3b: {  	_ =	sfence.sel $0x180000  }
0x3c: {  	[bflag:$0x0] =	sbarrier.arrive $0xFFFF  }
0x3d: {  	p0 =	sne.s32 s0, $0x0;
	_ =	strace $0x90000047  }
0x3e: {  	s0 =	sadd.s32 @!p0 $0x100000, s2;
	[bflag:$0x2] =	sbarrier.arrive $0xFFFF  }
0x3f: {  	[sflag:s0] =	ssyncadd.tile.s32 @!p0 $0x1;
	_ =	shalt  }
.Lfunc_end2:
_tile_overlayer_lowered:
.L_overlay_start_2:
0x40: {  	(tag) =	ssettag $0x2  }
0x41: {  	s0 =	rddreg [dreg:$0x0];
	s2 =	stileid.u32  }
0x42: {  	s1 =	rddreg [dreg:$0x1];
	p0 =	sne.s32 s2, $0x0  }
0x43: {  	s3 =	rddreg [dreg:$0x2];
	[bflag:$0x3] =	sbarrier.arrive $0xFFFF;
	s2 =	simm.s32 @!p0 $0x1C03  }
0x44: {  	[timem:s3], [sflag:s2] =	dma.local @!p0 [hbm:s0], s1  }
0x45: {  	s0 =	simm.s32 @!p0 $0x3  }
0x46: {  	_ =	swait.ge @!p0 [sflag:s0], s1  }
0x47: {  	s1 =	ssub.s32 @!p0 $0x0, s1;
	[sflag:s0] =	ssyncset.done @!p0 $0x0  }
0x48: {  	[sflag:s0] =	ssyncadd.s32 @!p0 s1  }
0x49: {  	[bflag:$0x3] =	sbarrier.arrive $0xFFFF  }
0x4a: {  	_ =	shalt  }

</sc_bundles>
